<compile_context>
chip_gen: v7x
topology: tpu7x:2x2x1
jax: 0.10.2.dev20260603
libtpu: 0.0.44.dev20260713+nightly
codegen_flags: <defaults>
</compile_context>

<pallas_src>
import functools

import jax
import jax.numpy as jnp
from jax import lax
from jax.experimental import pallas as pl
from jax.experimental.pallas import tpu as pltpu
from jax.experimental.pallas import tpu_sc as plsc

_N = 4096
_INF = float("inf")
_NW = 32
_RPW = _N // _NW
_L = 16



def _sc_sel(v, i):
    lane = lax.iota(jnp.int32, _L)
    return jnp.min(jnp.where(lane == i, v, _INF))


def _sc_row_topk(qx, qy, qz, qsq, cx, cy, cz, csq):

    def chunk(ci, carry):
        top16, thr = carry
        sl = pl.ds(ci * _L, _L)
        cross = (qx * cx[sl] + qy * cy[sl]) + qz * cz[sl]
        dv = (-2.0 * cross + qsq) + csq[sl]

        def merge(op):
            t16, _ = op
            sd = lax.sort(dv, dimension=0)
            lo = jnp.minimum(t16, lax.rev(sd, dimensions=(0,)))
            new16 = lax.sort(lo, dimension=0)
            return new16, jnp.max(new16)

        return lax.cond(jnp.any(dv < thr), merge, lambda op: op, (top16, thr))

    top16 = jnp.full((_L,), _INF, jnp.float32)
    top16, _ = lax.fori_loop(0, _N // _L, chunk, (top16, jnp.float32(_INF)))
    return top16


def _sc_matrix_pass(wid, qbufs, cbufs, kpairs, thbufs, outs):
    qx, qy, qz, qsq = qbufs
    cx, cy, cz, csq = cbufs
    lane = lax.iota(jnp.int32, _L)

    def group(g, _):
        base = wid * _RPW + g * _L
        qxv = qx[pl.ds(base, _L)]
        qyv = qy[pl.ds(base, _L)]
        qzv = qz[pl.ds(base, _L)]
        qsv = qsq[pl.ds(base, _L)]

        def row(j, accs):
            top16 = _sc_row_topk(_sc_sel(qxv, j), _sc_sel(qyv, j),
                                 _sc_sel(qzv, j), _sc_sel(qsv, j),
                                 cx, cy, cz, csq)
            new = []
            for (ka, kb), acc in zip(kpairs, accs):
                mid = 0.5 * (_sc_sel(top16, ka) + _sc_sel(top16, kb))
                new.append(jnp.where(lane == j, mid, acc))
            return tuple(new)

        accs = tuple(jnp.zeros((_L,), jnp.float32) for _ in kpairs)
        accs = lax.fori_loop(0, _L, row, accs)
        for buf, acc in zip(thbufs, accs):
            buf[pl.ds(g * _L, _L)] = acc
        return 0

    lax.fori_loop(0, _RPW // _L, group, 0)
    for buf, out in zip(thbufs, outs):
        pltpu.sync_copy(buf, out.at[pl.ds(wid * _RPW, _RPW)])


def _sc_body(p1x_hbm, p1y_hbm, p1z_hbm, p2x_hbm, p2y_hbm, p2z_hbm,
             wx_hbm, wy_hbm, wz_hbm, p1sq_hbm, p2sq_hbm, wsq_hbm,
             th22_hbm, th11a_hbm, th11b_hbm, th12_hbm,
             b1x, b1y, b1z, s1, b2x, b2y, b2z, s2, bwx, bwy, bwz, sw,
             t22, t11a, t11b, t12):
    wid = lax.axis_index("s") * 2 + lax.axis_index("c")
    for src, dst in ((p1x_hbm, b1x), (p1y_hbm, b1y), (p1z_hbm, b1z),
                     (p2x_hbm, b2x), (p2y_hbm, b2y), (p2z_hbm, b2z),
                     (wx_hbm, bwx), (wy_hbm, bwy), (wz_hbm, bwz),
                     (p1sq_hbm, s1), (p2sq_hbm, s2), (wsq_hbm, sw)):
        pltpu.sync_copy(src, dst)

    pc1 = (b1x, b1y, b1z, s1)
    pc2 = (b2x, b2y, b2z, s2)
    wrp = (bwx, bwy, bwz, sw)
    _sc_matrix_pass(wid, pc2, pc2, [(9, 10)], [t22], [th22_hbm])
    _sc_matrix_pass(wid, pc1, pc1, [(9, 10), (8, 9)], [t11a, t11b],
                    [th11a_hbm, th11b_hbm])
    _sc_matrix_pass(wid, wrp, pc2, [(4, 5)], [t12], [th12_hbm])


def _sc_thresholds(p1r, p2r, wr, p1sq, p2sq, wsq):
    mesh = plsc.VectorSubcoreMesh(core_axis_name="c", subcore_axis_name="s")
    f32 = jnp.float32
    kern = functools.partial(
        pl.kernel,
        mesh=mesh,
        out_type=[jax.ShapeDtypeStruct((_N,), f32) for _ in range(4)],
        scratch_types=(
            [pltpu.VMEM((_N,), f32) for _ in range(12)]
            + [pltpu.VMEM((_RPW,), f32) for _ in range(4)]
        ),
        compiler_params=pltpu.CompilerParams(needs_layout_passes=False),
    )(_sc_body)
    return kern(p1r[0], p1r[1], p1r[2], p2r[0], p2r[1], p2r[2],
                wr[0], wr[1], wr[2], p1sq, p2sq, wsq)



def _sqdist(rows_mat, cols_mat, query_is_col):
    cross = jnp.dot(rows_mat, cols_mat, preferred_element_type=jnp.float32)
    rowsq = (rows_mat[:, 0:1] * rows_mat[:, 0:1]
             + rows_mat[:, 1:2] * rows_mat[:, 1:2]
             + rows_mat[:, 2:3] * rows_mat[:, 2:3])
    colsq = (cols_mat[0:1, :] * cols_mat[0:1, :]
             + cols_mat[1:2, :] * cols_mat[1:2, :]
             + cols_mat[2:3, :] * cols_mat[2:3, :])
    if query_is_col:
        return (-2.0 * cross + colsq) + rowsq
    return (-2.0 * cross + rowsq) + colsq


def _curv2_body(c_ref, g_ref, ct_ref, gt_ref, th_ref, out_ref):
    rows_mat = c_ref[...] + g_ref[...]
    cols_mat = ct_ref[...] + gt_ref[...]
    d2 = _sqdist(rows_mat, cols_mat, query_is_col=True)
    mask = d2 <= th_ref[...]
    for d in range(3):
        s = jnp.sum(jnp.where(mask, rows_mat[:, d : d + 1], 0.0),
                    axis=0, keepdims=True)
        out_ref[d : d + 1, :] = ((s - 10.0 * cols_mat[d : d + 1, :])
                                 * jnp.float32(1.0 / 9.0))


def _main_body(c_ref, g_ref, f_ref, tha_ref, thb_ref, thc_ref,
               ct_ref, gt_ref, ft_ref, cv_ref, out_ref,
               colmin_ref, acc_ref, *, tiles):
    i = pl.program_id(0)

    @pl.when(i == 0)
    def _init():
        acc_ref[0] = 0.0
        acc_ref[1] = 0.0
        acc_ref[2] = 0.0
        colmin_ref[...] = jnp.full(colmin_ref.shape, _INF, jnp.float32)

    c_row = c_ref[...]
    f_row = f_ref[...]
    w_row = c_row + f_row
    ct_all = ct_ref[...]
    gt_all = gt_ref[...]
    ft_all = ft_ref[...]
    p2cols = ct_all + gt_all
    wcols = ct_all + ft_all

    fr = [f_row[:, d : d + 1] for d in range(3)]
    wr = [w_row[:, d : d + 1] for d in range(3)]
    fc = [ft_all[d : d + 1, :] for d in range(3)]
    wc = [wcols[d : d + 1, :] for d in range(3)]
    cv = [cv_ref[d : d + 1, :] for d in range(3)]

    d11 = _sqdist(c_row, ct_all, query_is_col=False)
    mask10 = d11 <= tha_ref[...]
    mask9 = d11 <= thb_ref[...]
    moved = []
    for d in range(3):
        s = jnp.sum(jnp.where(mask10, wc[d], 0.0), axis=1, keepdims=True)
        moved.append((s - 10.0 * wr[d]) * jnp.float32(1.0 / 9.0))
    nrm = jnp.sqrt((fc[0] - fr[0]) ** 2 + (fc[1] - fr[1]) ** 2
                   + (fc[2] - fr[2]) ** 2)
    smooth_part = jnp.sum(jnp.where(mask9, nrm, 0.0)) * jnp.float32(1.0 / 8.0)

    d12 = _sqdist(w_row, p2cols, query_is_col=False)
    d1 = jnp.min(d12, axis=1, keepdims=True)
    cham1_part = jnp.sum(d1)
    colmin_ref[...] = jnp.minimum(colmin_ref[...],
                                  jnp.min(d12, axis=0, keepdims=True))
    w = jnp.where(d12 <= thc_ref[...], 1.0 / (d12 + 1e-8), 0.0)
    wnorm = jnp.sum(w, axis=1, keepdims=True)
    curv_part = jnp.float32(0.0)
    for d in range(3):
        inter = jnp.sum(w * cv[d], axis=1, keepdims=True) / wnorm
        curv_part = curv_part + jnp.sum((inter - moved[d]) ** 2)

    acc_ref[0] += cham1_part
    acc_ref[1] += smooth_part
    acc_ref[2] += curv_part

    @pl.when(i == tiles - 1)
    def _fin():
        cham2 = jnp.sum(colmin_ref[...])
        total = (jnp.float32(0.02) * (acc_ref[0] + cham2)
                 + jnp.float32(0.02) * acc_ref[1]
                 + jnp.float32(0.006) * acc_ref[2])
        out_ref[...] = total[None, None]


def kernel(registration_pred, registration_gt, coords):
    c = coords
    g = registration_gt[0]
    f = registration_pred[0]
    ct = c.T
    gt_ = g.T
    ft = f.T
    p2 = c + g
    wp = c + f

    rp = lambda a: lax.reduce_precision(a, 8, 7)
    p1r = rp(ct)
    p2r = rp(p2.T)
    wr = rp(wp.T)
    p1sq = jnp.sum(c ** 2, -1)
    p2sq = jnp.sum(p2 ** 2, -1)
    wsq = jnp.sum(wp ** 2, -1)

    th22, th11a, th11b, th12 = _sc_thresholds(p1r, p2r, wr, p1sq, p2sq, wsq)

    ta = 512
    curv2_t = pl.pallas_call(
        _curv2_body,
        grid=(_N // ta,),
        in_specs=[
            pl.BlockSpec((_N, 3), lambda i: (0, 0)),
            pl.BlockSpec((_N, 3), lambda i: (0, 0)),
            pl.BlockSpec((3, ta), lambda i: (0, i)),
            pl.BlockSpec((3, ta), lambda i: (0, i)),
            pl.BlockSpec((1, ta), lambda i: (0, i)),
        ],
        out_specs=pl.BlockSpec((3, ta), lambda i: (0, i)),
        out_shape=jax.ShapeDtypeStruct((3, _N), jnp.float32),
    )(c, g, ct, gt_, th22.reshape(1, _N))

    tb = 256
    tiles = _N // tb
    total = pl.pallas_call(
        functools.partial(_main_body, tiles=tiles),
        grid=(tiles,),
        in_specs=[
            pl.BlockSpec((tb, 3), lambda i: (i, 0)),
            pl.BlockSpec((tb, 3), lambda i: (i, 0)),
            pl.BlockSpec((tb, 3), lambda i: (i, 0)),
            pl.BlockSpec((tb, 1), lambda i: (i, 0)),
            pl.BlockSpec((tb, 1), lambda i: (i, 0)),
            pl.BlockSpec((tb, 1), lambda i: (i, 0)),
            pl.BlockSpec((3, _N), lambda i: (0, 0)),
            pl.BlockSpec((3, _N), lambda i: (0, 0)),
            pl.BlockSpec((3, _N), lambda i: (0, 0)),
            pl.BlockSpec((3, _N), lambda i: (0, 0)),
        ],
        out_specs=pl.BlockSpec((1, 1), lambda i: (0, 0)),
        out_shape=jax.ShapeDtypeStruct((1, 1), jnp.float32),
        scratch_shapes=[
            pltpu.VMEM((1, _N), jnp.float32),
            pltpu.SMEM((4,), jnp.float32),
        ],
    )(c, g, f, th11a.reshape(_N, 1), th11b.reshape(_N, 1),
      th12.reshape(_N, 1), ct, gt_, ft, curv2_t)

    return total.reshape(1)

# --- scband reference (transcript-rebuilt; emitter-appended) ---
"""Pipeline reference for scband-point-pwc-14714557956153 (READ-ONLY COPY).

The authoritative reference and input builder live on the scoring server;
editing this copy changes nothing except your own understanding.
"""

import jax, jax.numpy as jnp
import numpy as np
from jax import lax

CURVATURE_W = 0.3
SMOOTHNESS_W = 1.0
CHAMFER_W = 1.0
SMOOTHNESS_K = 9


def square_distance(src, dst):
    dist = -2.0 * jnp.einsum('bnd,bmd->bnm', src, dst)
    dist = dist + jnp.sum(src ** 2, -1)[:, :, None]
    dist = dist + jnp.sum(dst ** 2, -1)[:, None, :]
    return dist


def index_points_group(src, idx):
    # src: [B, M, C], idx: [B, N, K] -> [B, N, K, C]
    return jax.vmap(lambda s, i: s[i])(src, idx)


def knn_small(sqrdist, k):
    # smallest-k distances + indices (torch.topk largest=False)
    neg_vals, idx = lax.top_k(-sqrdist, k)
    return -neg_vals, idx


def computeChamfer(pc1, pc2):
    pc1 = jnp.transpose(pc1, (0, 2, 1))
    pc2 = jnp.transpose(pc2, (0, 2, 1))
    sqrdist12 = square_distance(pc1, pc2)
    dist1, _ = knn_small(sqrdist12, 1)
    dist2, _ = knn_small(jnp.transpose(sqrdist12, (0, 2, 1)), 1)
    return dist1[..., 0], dist2[..., 0]


def computeSmooth(pc1, pred_flow, k):
    pc1 = jnp.transpose(pc1, (0, 2, 1))
    pred_flow = jnp.transpose(pred_flow, (0, 2, 1))
    sqrdist = square_distance(pc1, pc1)
    _, kidx = knn_small(sqrdist, k)
    grouped_flow = index_points_group(pred_flow, kidx)
    diff_flow = jnp.sum(jnp.linalg.norm(grouped_flow - pred_flow[:, :, None, :], axis=3), axis=2) / 8.0
    return diff_flow


def curvature(point_cloud):
    pc = jnp.transpose(point_cloud, (0, 2, 1))
    sqrdist = square_distance(pc, pc)
    _, kidx = knn_small(sqrdist, 10)
    grouped_pc = index_points_group(pc, kidx)
    return jnp.sum(grouped_pc - pc[:, :, None, :], axis=2) / 9.0


def curvatureWarp(pc, warped_pc):
    warped_pc = jnp.transpose(warped_pc, (0, 2, 1))
    pc = jnp.transpose(pc, (0, 2, 1))
    sqrdist = square_distance(pc, pc)
    _, kidx = knn_small(sqrdist, 10)
    grouped_pc = index_points_group(warped_pc, kidx)
    return jnp.sum(grouped_pc - warped_pc[:, :, None, :], axis=2) / 9.0


def interpolateCurvature(pc1, pc2, pc2_curvature):
    B, _, N = pc1.shape
    pc1t = jnp.transpose(pc1, (0, 2, 1))
    pc2t = jnp.transpose(pc2, (0, 2, 1))
    sqrdist12 = square_distance(pc1t, pc2t)
    dist, knn_idx = knn_small(sqrdist12, 5)
    grouped_pc2_curvature = index_points_group(pc2_curvature, knn_idx)
    norm = jnp.sum(1.0 / (dist + 1e-08), axis=2, keepdims=True)
    weight = 1.0 / (dist + 1e-08) / norm
    inter = jnp.sum(weight.reshape(B, N, 5, 1) * grouped_pc2_curvature, axis=2)
    return inter


def _pointpwc_loss(registration_pred, registration_gt, coords):
    pc1 = coords[None]                      # [1, N, 3]
    pc2 = coords + registration_gt          # [1, N, 3] via broadcast
    pred_flows = registration_pred          # [1, N, 3]
    num_scale = pred_flows.shape[0]
    alpha = [0.02, 0.04, 0.08, 0.16]
    chamfer_loss = jnp.zeros(1)
    smoothness_loss = jnp.zeros(1)
    curvature_loss = jnp.zeros(1)
    for i in range(num_scale):
        cur_pc1 = jnp.transpose(pc1[i][None], (0, 2, 1))      # [1, 3, N]
        cur_pc2 = jnp.transpose(pc2[i][None], (0, 2, 1))      # [1, 3, N]
        cur_flow = jnp.transpose(pred_flows[i][None], (0, 2, 1))
        cur_pc2_curvature = curvature(cur_pc2)
        cur_pc1_warp = cur_pc1 + cur_flow
        dist1, dist2 = computeChamfer(cur_pc1_warp, cur_pc2)
        moved_pc1_curvature = curvatureWarp(cur_pc1, cur_pc1_warp)
        chamferLoss = jnp.mean(jnp.sum(dist1, axis=1)) + jnp.mean(jnp.sum(dist2, axis=1))
        smoothnessLoss = jnp.mean(jnp.sum(computeSmooth(cur_pc1, cur_flow, SMOOTHNESS_K), axis=1))
        inter_pc2_curvature = interpolateCurvature(cur_pc1_warp, cur_pc2, cur_pc2_curvature)
        curvatureLoss = jnp.mean(jnp.sum(jnp.sum((inter_pc2_curvature - moved_pc1_curvature) ** 2, axis=2), axis=1))
        chamfer_loss = chamfer_loss + alpha[i] * chamferLoss
        smoothness_loss = smoothness_loss + alpha[i] * smoothnessLoss
        curvature_loss = curvature_loss + alpha[i] * curvatureLoss
    total_loss = CHAMFER_W * chamfer_loss + CURVATURE_W * curvature_loss + SMOOTHNESS_W * smoothness_loss
    return total_loss


def setup_inputs(seed: int = 0):
    key = jax.random.key(seed)
    k1, k2, k3 = jax.random.split(key, 3)
    N = 4096
    coords = jax.random.normal(k1, (N, 3), dtype=jnp.float32)
    registration_gt = jax.random.normal(k2, (1, N, 3), dtype=jnp.float32)
    registration_pred = jax.random.normal(k3, (1, N, 3), dtype=jnp.float32)
    return {"registration_pred": registration_pred, "registration_gt": registration_gt, "coords": coords}


def reference(registration_pred, registration_gt, coords):
    return _pointpwc_loss(registration_pred, registration_gt, coords)

if __name__ == "__main__":
    import jax
    _d = setup_inputs()
    print(jax.jit(kernel)(*tuple(_d.values())))

</pallas_src>

<mosaic_0001>
#map = affine_map<(d0, d1) -> (0)>
module attributes {stable_mosaic.version = 14 : i64} {
  func.func @_sc_body(%arg0: i32, %arg1: i32, %arg2: memref<4096xf32, #tpu.memory_space<hbm>>, %arg3: memref<4096xf32, #tpu.memory_space<hbm>>, %arg4: memref<4096xf32, #tpu.memory_space<hbm>>, %arg5: memref<4096xf32, #tpu.memory_space<hbm>>, %arg6: memref<4096xf32, #tpu.memory_space<hbm>>, %arg7: memref<4096xf32, #tpu.memory_space<hbm>>, %arg8: memref<4096xf32, #tpu.memory_space<hbm>>, %arg9: memref<4096xf32, #tpu.memory_space<hbm>>, %arg10: memref<4096xf32, #tpu.memory_space<hbm>>, %arg11: memref<4096xf32, #tpu.memory_space<hbm>>, %arg12: memref<4096xf32, #tpu.memory_space<hbm>>, %arg13: memref<4096xf32, #tpu.memory_space<hbm>>, %arg14: memref<4096xf32, #tpu.memory_space<hbm>>, %arg15: memref<4096xf32, #tpu.memory_space<hbm>>, %arg16: memref<4096xf32, #tpu.memory_space<hbm>>, %arg17: memref<4096xf32, #tpu.memory_space<hbm>>, %arg18: memref<4096xf32, #tpu.memory_space<vmem>>, %arg19: memref<4096xf32, #tpu.memory_space<vmem>>, %arg20: memref<4096xf32, #tpu.memory_space<vmem>>, %arg21: memref<4096xf32, #tpu.memory_space<vmem>>, %arg22: memref<4096xf32, #tpu.memory_space<vmem>>, %arg23: memref<4096xf32, #tpu.memory_space<vmem>>, %arg24: memref<4096xf32, #tpu.memory_space<vmem>>, %arg25: memref<4096xf32, #tpu.memory_space<vmem>>, %arg26: memref<4096xf32, #tpu.memory_space<vmem>>, %arg27: memref<4096xf32, #tpu.memory_space<vmem>>, %arg28: memref<4096xf32, #tpu.memory_space<vmem>>, %arg29: memref<4096xf32, #tpu.memory_space<vmem>>, %arg30: memref<128xf32, #tpu.memory_space<vmem>>, %arg31: memref<128xf32, #tpu.memory_space<vmem>>, %arg32: memref<128xf32, #tpu.memory_space<vmem>>, %arg33: memref<128xf32, #tpu.memory_space<vmem>>) attributes {dimension_semantics = [#tpu.dimension_semantics<core_parallel>, #tpu.dimension_semantics<subcore_parallel>], iteration_bounds = array<i64: 2, 16>, scalar_prefetch = 0 : i64, scratch_operands = 16 : i64, tpu.core_type = #tpu.core_type<sc_vector_subcore>, window_params = [{transform_indices = #map}, {transform_indices = #map}, {transform_indices = #map}, {transform_indices = #map}, {transform_indices = #map}, {transform_indices = #map}, {transform_indices = #map}, {transform_indices = #map}, {transform_indices = #map}, {transform_indices = #map}, {transform_indices = #map}, {transform_indices = #map}, {transform_indices = #map}, {transform_indices = #map}, {transform_indices = #map}, {transform_indices = #map}]} {
    %mul3A = arith.constant 2 : i32
    %mul3A_0 = arith.muli %arg1, %mul3A : i32
    %add3A = arith.addi %mul3A_0, %arg0 : i32
    "tpu.region"() ({
      %run_scoped3A = tpu.sem_alloc : memref<!tpu.dma_semaphore, #tpu.memory_space<semaphore_mem>>
      tpu.enqueue_dma source(%arg2 : memref<4096xf32, #tpu.memory_space<hbm>>) target(%arg18 : memref<4096xf32, #tpu.memory_space<vmem>>) target_semaphore(%run_scoped3A : memref<!tpu.dma_semaphore, #tpu.memory_space<semaphore_mem>>)
      tpu.wait_dma2 semaphore(%run_scoped3A : memref<!tpu.dma_semaphore, #tpu.memory_space<semaphore_mem>>) src(%arg2 : memref<4096xf32, #tpu.memory_space<hbm>>) dst(%arg18 : memref<4096xf32, #tpu.memory_space<vmem>>)
      tpu.yield
    }) : () -> ()
    "tpu.region"() ({
      %run_scoped3A = tpu.sem_alloc : memref<!tpu.dma_semaphore, #tpu.memory_space<semaphore_mem>>
      tpu.enqueue_dma source(%arg3 : memref<4096xf32, #tpu.memory_space<hbm>>) target(%arg19 : memref<4096xf32, #tpu.memory_space<vmem>>) target_semaphore(%run_scoped3A : memref<!tpu.dma_semaphore, #tpu.memory_space<semaphore_mem>>)
      tpu.wait_dma2 semaphore(%run_scoped3A : memref<!tpu.dma_semaphore, #tpu.memory_space<semaphore_mem>>) src(%arg3 : memref<4096xf32, #tpu.memory_space<hbm>>) dst(%arg19 : memref<4096xf32, #tpu.memory_space<vmem>>)
      tpu.yield
    }) : () -> ()
    "tpu.region"() ({
      %run_scoped3A = tpu.sem_alloc : memref<!tpu.dma_semaphore, #tpu.memory_space<semaphore_mem>>
      tpu.enqueue_dma source(%arg4 : memref<4096xf32, #tpu.memory_space<hbm>>) target(%arg20 : memref<4096xf32, #tpu.memory_space<vmem>>) target_semaphore(%run_scoped3A : memref<!tpu.dma_semaphore, #tpu.memory_space<semaphore_mem>>)
      tpu.wait_dma2 semaphore(%run_scoped3A : memref<!tpu.dma_semaphore, #tpu.memory_space<semaphore_mem>>) src(%arg4 : memref<4096xf32, #tpu.memory_space<hbm>>) dst(%arg20 : memref<4096xf32, #tpu.memory_space<vmem>>)
      tpu.yield
    }) : () -> ()
    "tpu.region"() ({
      %run_scoped3A = tpu.sem_alloc : memref<!tpu.dma_semaphore, #tpu.memory_space<semaphore_mem>>
      tpu.enqueue_dma source(%arg5 : memref<4096xf32, #tpu.memory_space<hbm>>) target(%arg22 : memref<4096xf32, #tpu.memory_space<vmem>>) target_semaphore(%run_scoped3A : memref<!tpu.dma_semaphore, #tpu.memory_space<semaphore_mem>>)
      tpu.wait_dma2 semaphore(%run_scoped3A : memref<!tpu.dma_semaphore, #tpu.memory_space<semaphore_mem>>) src(%arg5 : memref<4096xf32, #tpu.memory_space<hbm>>) dst(%arg22 : memref<4096xf32, #tpu.memory_space<vmem>>)
      tpu.yield
    }) : () -> ()
    "tpu.region"() ({
      %run_scoped3A = tpu.sem_alloc : memref<!tpu.dma_semaphore, #tpu.memory_space<semaphore_mem>>
      tpu.enqueue_dma source(%arg6 : memref<4096xf32, #tpu.memory_space<hbm>>) target(%arg23 : memref<4096xf32, #tpu.memory_space<vmem>>) target_semaphore(%run_scoped3A : memref<!tpu.dma_semaphore, #tpu.memory_space<semaphore_mem>>)
      tpu.wait_dma2 semaphore(%run_scoped3A : memref<!tpu.dma_semaphore, #tpu.memory_space<semaphore_mem>>) src(%arg6 : memref<4096xf32, #tpu.memory_space<hbm>>) dst(%arg23 : memref<4096xf32, #tpu.memory_space<vmem>>)
      tpu.yield
    }) : () -> ()
    "tpu.region"() ({
      %run_scoped3A = tpu.sem_alloc : memref<!tpu.dma_semaphore, #tpu.memory_space<semaphore_mem>>
      tpu.enqueue_dma source(%arg7 : memref<4096xf32, #tpu.memory_space<hbm>>) target(%arg24 : memref<4096xf32, #tpu.memory_space<vmem>>) target_semaphore(%run_scoped3A : memref<!tpu.dma_semaphore, #tpu.memory_space<semaphore_mem>>)
      tpu.wait_dma2 semaphore(%run_scoped3A : memref<!tpu.dma_semaphore, #tpu.memory_space<semaphore_mem>>) src(%arg7 : memref<4096xf32, #tpu.memory_space<hbm>>) dst(%arg24 : memref<4096xf32, #tpu.memory_space<vmem>>)
      tpu.yield
    }) : () -> ()
    "tpu.region"() ({
      %run_scoped3A = tpu.sem_alloc : memref<!tpu.dma_semaphore, #tpu.memory_space<semaphore_mem>>
      tpu.enqueue_dma source(%arg8 : memref<4096xf32, #tpu.memory_space<hbm>>) target(%arg26 : memref<4096xf32, #tpu.memory_space<vmem>>) target_semaphore(%run_scoped3A : memref<!tpu.dma_semaphore, #tpu.memory_space<semaphore_mem>>)
      tpu.wait_dma2 semaphore(%run_scoped3A : memref<!tpu.dma_semaphore, #tpu.memory_space<semaphore_mem>>) src(%arg8 : memref<4096xf32, #tpu.memory_space<hbm>>) dst(%arg26 : memref<4096xf32, #tpu.memory_space<vmem>>)
      tpu.yield
    }) : () -> ()
    "tpu.region"() ({
      %run_scoped3A = tpu.sem_alloc : memref<!tpu.dma_semaphore, #tpu.memory_space<semaphore_mem>>
      tpu.enqueue_dma source(%arg9 : memref<4096xf32, #tpu.memory_space<hbm>>) target(%arg27 : memref<4096xf32, #tpu.memory_space<vmem>>) target_semaphore(%run_scoped3A : memref<!tpu.dma_semaphore, #tpu.memory_space<semaphore_mem>>)
      tpu.wait_dma2 semaphore(%run_scoped3A : memref<!tpu.dma_semaphore, #tpu.memory_space<semaphore_mem>>) src(%arg9 : memref<4096xf32, #tpu.memory_space<hbm>>) dst(%arg27 : memref<4096xf32, #tpu.memory_space<vmem>>)
      tpu.yield
    }) : () -> ()
    "tpu.region"() ({
      %run_scoped3A = tpu.sem_alloc : memref<!tpu.dma_semaphore, #tpu.memory_space<semaphore_mem>>
      tpu.enqueue_dma source(%arg10 : memref<4096xf32, #tpu.memory_space<hbm>>) target(%arg28 : memref<4096xf32, #tpu.memory_space<vmem>>) target_semaphore(%run_scoped3A : memref<!tpu.dma_semaphore, #tpu.memory_space<semaphore_mem>>)
      tpu.wait_dma2 semaphore(%run_scoped3A : memref<!tpu.dma_semaphore, #tpu.memory_space<semaphore_mem>>) src(%arg10 : memref<4096xf32, #tpu.memory_space<hbm>>) dst(%arg28 : memref<4096xf32, #tpu.memory_space<vmem>>)
      tpu.yield
    }) : () -> ()
    "tpu.region"() ({
      %run_scoped3A = tpu.sem_alloc : memref<!tpu.dma_semaphore, #tpu.memory_space<semaphore_mem>>
      tpu.enqueue_dma source(%arg11 : memref<4096xf32, #tpu.memory_space<hbm>>) target(%arg21 : memref<4096xf32, #tpu.memory_space<vmem>>) target_semaphore(%run_scoped3A : memref<!tpu.dma_semaphore, #tpu.memory_space<semaphore_mem>>)
      tpu.wait_dma2 semaphore(%run_scoped3A : memref<!tpu.dma_semaphore, #tpu.memory_space<semaphore_mem>>) src(%arg11 : memref<4096xf32, #tpu.memory_space<hbm>>) dst(%arg21 : memref<4096xf32, #tpu.memory_space<vmem>>)
      tpu.yield
    }) : () -> ()
    "tpu.region"() ({
      %run_scoped3A = tpu.sem_alloc : memref<!tpu.dma_semaphore, #tpu.memory_space<semaphore_mem>>
      tpu.enqueue_dma source(%arg12 : memref<4096xf32, #tpu.memory_space<hbm>>) target(%arg25 : memref<4096xf32, #tpu.memory_space<vmem>>) target_semaphore(%run_scoped3A : memref<!tpu.dma_semaphore, #tpu.memory_space<semaphore_mem>>)
      tpu.wait_dma2 semaphore(%run_scoped3A : memref<!tpu.dma_semaphore, #tpu.memory_space<semaphore_mem>>) src(%arg12 : memref<4096xf32, #tpu.memory_space<hbm>>) dst(%arg25 : memref<4096xf32, #tpu.memory_space<vmem>>)
      tpu.yield
    }) : () -> ()
    "tpu.region"() ({
      %run_scoped3A = tpu.sem_alloc : memref<!tpu.dma_semaphore, #tpu.memory_space<semaphore_mem>>
      tpu.enqueue_dma source(%arg13 : memref<4096xf32, #tpu.memory_space<hbm>>) target(%arg29 : memref<4096xf32, #tpu.memory_space<vmem>>) target_semaphore(%run_scoped3A : memref<!tpu.dma_semaphore, #tpu.memory_space<semaphore_mem>>)
      tpu.wait_dma2 semaphore(%run_scoped3A : memref<!tpu.dma_semaphore, #tpu.memory_space<semaphore_mem>>) src(%arg13 : memref<4096xf32, #tpu.memory_space<hbm>>) dst(%arg29 : memref<4096xf32, #tpu.memory_space<vmem>>)
      tpu.yield
    }) : () -> ()
    %iota3A = tpu.iota {dimensions = array<i32: 0>} : vector<16xi32>
    %scan3A = arith.constant 0 : i32
    %scan3A_1 = arith.constant 0 : i32
    %scan3A_2 = arith.constant 8 : i32
    %scan3A_3 = arith.addi %scan3A_1, %scan3A_2 : i32
    %scan3A_4 = arith.constant 1 : i32
    %scan3A_5 = scf.for %scan3A_31 = %scan3A_1 to %scan3A_3 step %scan3A_4 iter_args(%scan3A_32 = %scan3A) -> (i32)  : i32 {
      %mul3A_33 = arith.constant 128 : i32
      %mul3A_34 = arith.muli %add3A, %mul3A_33 : i32
      %mul3A_35 = arith.constant 16 : i32
      %mul3A_36 = arith.muli %scan3A_31, %mul3A_35 : i32
      %add3A_37 = arith.addi %mul3A_34, %mul3A_36 : i32
      %get3A = arith.index_cast %add3A_37 : i32 to index
      %get3A_38 = tpu.vector_load %arg22[%get3A] {strides = array<i32>} : memref<4096xf32, #tpu.memory_space<vmem>>, vector<16xf32>,
      %get3A_39 = arith.index_cast %add3A_37 : i32 to index
      %get3A_40 = tpu.vector_load %arg23[%get3A_39] {strides = array<i32>} : memref<4096xf32, #tpu.memory_space<vmem>>, vector<16xf32>,
      %get3A_41 = arith.index_cast %add3A_37 : i32 to index
      %get3A_42 = tpu.vector_load %arg24[%get3A_41] {strides = array<i32>} : memref<4096xf32, #tpu.memory_space<vmem>>, vector<16xf32>,
      %get3A_43 = arith.index_cast %add3A_37 : i32 to index
      %get3A_44 = tpu.vector_load %arg25[%get3A_43] {strides = array<i32>} : memref<4096xf32, #tpu.memory_space<vmem>>, vector<16xf32>,
      %broadcast_in_dim3A = arith.constant 0.000000e+00 : f32
      %broadcast_in_dim3A_45 = vector.broadcast %broadcast_in_dim3A : f32 to vector<16xf32>
      %scan3A_46 = arith.constant 0 : i32
      %scan3A_47 = arith.constant 16 : i32
      %scan3A_48 = arith.addi %scan3A_46, %scan3A_47 : i32
      %scan3A_49 = arith.constant 1 : i32
      %scan3A_50 = scf.for %scan3A_56 = %scan3A_46 to %scan3A_48 step %scan3A_49 iter_args(%scan3A_57 = %broadcast_in_dim3A_45) -> (vector<16xf32>)  : i32 {
        %iota3A_58 = tpu.iota {dimensions = array<i32: 0>} : vector<16xi32>
        %eq3A = vector.broadcast %scan3A_56 : i32 to vector<16xi32>
        %eq3A_59 = arith.cmpi eq, %iota3A_58, %eq3A : vector<16xi32>
        %jit3A = arith.constant 0x7F800000 : f32
        %broadcast_in_dim3A_60 = vector.broadcast %jit3A : f32 to vector<16xf32>
        %select_n3A = arith.select %eq3A_59, %get3A_38, %broadcast_in_dim3A_60 : vector<16xi1>, vector<16xf32>
        %reduce_min3A = arith.constant true
        %reduce_min3A_61 = vector.broadcast %reduce_min3A : i1 to vector<16xi1>
        %reduce_min3A_62 = tpu.scan <min>, %select_n3A masked %reduce_min3A_61 : vector<16xf32>, vector<16xi1> -> vector<16xf32>
        %reduce_min3A_63 = vector.extract %reduce_min3A_62[15] : f32 from vector<16xf32>
        %iota3A_64 = tpu.iota {dimensions = array<i32: 0>} : vector<16xi32>
        %eq3A_65 = vector.broadcast %scan3A_56 : i32 to vector<16xi32>
        %eq3A_66 = arith.cmpi eq, %iota3A_64, %eq3A_65 : vector<16xi32>
        %jit3A_67 = arith.constant 0x7F800000 : f32
        %broadcast_in_dim3A_68 = vector.broadcast %jit3A_67 : f32 to vector<16xf32>
        %select_n3A_69 = arith.select %eq3A_66, %get3A_40, %broadcast_in_dim3A_68 : vector<16xi1>, vector<16xf32>
        %reduce_min3A_70 = arith.constant true
        %reduce_min3A_71 = vector.broadcast %reduce_min3A_70 : i1 to vector<16xi1>
        %reduce_min3A_72 = tpu.scan <min>, %select_n3A_69 masked %reduce_min3A_71 : vector<16xf32>, vector<16xi1> -> vector<16xf32>
        %reduce_min3A_73 = vector.extract %reduce_min3A_72[15] : f32 from vector<16xf32>
        %iota3A_74 = tpu.iota {dimensions = array<i32: 0>} : vector<16xi32>
        %eq3A_75 = vector.broadcast %scan3A_56 : i32 to vector<16xi32>
        %eq3A_76 = arith.cmpi eq, %iota3A_74, %eq3A_75 : vector<16xi32>
        %jit3A_77 = arith.constant 0x7F800000 : f32
        %broadcast_in_dim3A_78 = vector.broadcast %jit3A_77 : f32 to vector<16xf32>
        %select_n3A_79 = arith.select %eq3A_76, %get3A_42, %broadcast_in_dim3A_78 : vector<16xi1>, vector<16xf32>
        %reduce_min3A_80 = arith.constant true
        %reduce_min3A_81 = vector.broadcast %reduce_min3A_80 : i1 to vector<16xi1>
        %reduce_min3A_82 = tpu.scan <min>, %select_n3A_79 masked %reduce_min3A_81 : vector<16xf32>, vector<16xi1> -> vector<16xf32>
        %reduce_min3A_83 = vector.extract %reduce_min3A_82[15] : f32 from vector<16xf32>
        %iota3A_84 = tpu.iota {dimensions = array<i32: 0>} : vector<16xi32>
        %eq3A_85 = vector.broadcast %scan3A_56 : i32 to vector<16xi32>
        %eq3A_86 = arith.cmpi eq, %iota3A_84, %eq3A_85 : vector<16xi32>
        %jit3A_87 = arith.constant 0x7F800000 : f32
        %broadcast_in_dim3A_88 = vector.broadcast %jit3A_87 : f32 to vector<16xf32>
        %select_n3A_89 = arith.select %eq3A_86, %get3A_44, %broadcast_in_dim3A_88 : vector<16xi1>, vector<16xf32>
        %reduce_min3A_90 = arith.constant true
        %reduce_min3A_91 = vector.broadcast %reduce_min3A_90 : i1 to vector<16xi1>
        %reduce_min3A_92 = tpu.scan <min>, %select_n3A_89 masked %reduce_min3A_91 : vector<16xf32>, vector<16xi1> -> vector<16xf32>
        %reduce_min3A_93 = vector.extract %reduce_min3A_92[15] : f32 from vector<16xf32>
        %broadcast_in_dim3A_94 = arith.constant 0x7F800000 : f32
        %broadcast_in_dim3A_95 = vector.broadcast %broadcast_in_dim3A_94 : f32 to vector<16xf32>
        %scan3A_96 = arith.constant 0x7F800000 : f32
        %scan3A_97 = arith.constant 0 : i32
        %scan3A_98 = arith.constant 256 : i32
        %scan3A_99 = arith.addi %scan3A_97, %scan3A_98 : i32
        %scan3A_100 = arith.constant 1 : i32
        %scan3A_101:2 = scf.for %scan3A_132 = %scan3A_97 to %scan3A_99 step %scan3A_100 iter_args(%scan3A_133 = %broadcast_in_dim3A_95, %scan3A_134 = %scan3A_96) -> (vector<16xf32>, f32)  : i32 {
          %mul3A_135 = arith.constant 16 : i32
          %mul3A_136 = arith.muli %scan3A_132, %mul3A_135 : i32
          %get3A_137 = arith.index_cast %mul3A_136 : i32 to index
          %get3A_138 = tpu.vector_load %arg22[%get3A_137] {strides = array<i32>} : memref<4096xf32, #tpu.memory_space<vmem>>, vector<16xf32>,
          %mul3A_139 = vector.broadcast %reduce_min3A_63 : f32 to vector<16xf32>
          %mul3A_140 = arith.mulf %mul3A_139, %get3A_138 : vector<16xf32>
          %get3A_141 = arith.index_cast %mul3A_136 : i32 to index
          %get3A_142 = tpu.vector_load %arg23[%get3A_141] {strides = array<i32>} : memref<4096xf32, #tpu.memory_space<vmem>>, vector<16xf32>,
          %mul3A_143 = vector.broadcast %reduce_min3A_73 : f32 to vector<16xf32>
          %mul3A_144 = arith.mulf %mul3A_143, %get3A_142 : vector<16xf32>
          %add3A_145 = arith.addf %mul3A_140, %mul3A_144 : vector<16xf32>
          %get3A_146 = arith.index_cast %mul3A_136 : i32 to index
          %get3A_147 = tpu.vector_load %arg24[%get3A_146] {strides = array<i32>} : memref<4096xf32, #tpu.memory_space<vmem>>, vector<16xf32>,
          %mul3A_148 = vector.broadcast %reduce_min3A_83 : f32 to vector<16xf32>
          %mul3A_149 = arith.mulf %mul3A_148, %get3A_147 : vector<16xf32>
          %add3A_150 = arith.addf %add3A_145, %mul3A_149 : vector<16xf32>
          %mul3A_151 = arith.constant -2.000000e+00 : f32
          %mul3A_152 = vector.broadcast %mul3A_151 : f32 to vector<16xf32>
          %mul3A_153 = arith.mulf %mul3A_152, %add3A_150 : vector<16xf32>
          %add3A_154 = vector.broadcast %reduce_min3A_93 : f32 to vector<16xf32>
          %add3A_155 = arith.addf %mul3A_153, %add3A_154 : vector<16xf32>
          %get3A_156 = arith.index_cast %mul3A_136 : i32 to index
          %get3A_157 = tpu.vector_load %arg25[%get3A_156] {strides = array<i32>} : memref<4096xf32, #tpu.memory_space<vmem>>, vector<16xf32>,
          %add3A_158 = arith.addf %add3A_155, %get3A_157 : vector<16xf32>
          %lt3A = vector.broadcast %scan3A_134 : f32 to vector<16xf32>
          %lt3A_159 = arith.cmpf olt, %add3A_158, %lt3A : vector<16xf32>
          %reduce_or3A = arith.constant 1.000000e+00 : f32
          %reduce_or3A_160 = arith.constant 0.000000e+00 : f32
          %reduce_or3A_161 = vector.broadcast %reduce_or3A : f32 to vector<16xf32>
          %reduce_or3A_162 = vector.broadcast %reduce_or3A_160 : f32 to vector<16xf32>
          %reduce_or3A_163 = arith.select %lt3A_159, %reduce_or3A_161, %reduce_or3A_162 : vector<16xi1>, vector<16xf32>
          %reduce_or3A_164 = arith.constant true
          %reduce_or3A_165 = vector.broadcast %reduce_or3A_164 : i1 to vector<16xi1>
          %reduce_or3A_166 = tpu.scan <max>, %reduce_or3A_163 masked %reduce_or3A_165 : vector<16xf32>, vector<16xi1> -> vector<16xf32>
          %reduce_or3A_167 = vector.extract %reduce_or3A_166[15] : f32 from vector<16xf32>
          %reduce_or3A_168 = arith.constant 0.000000e+00 : f32
          %reduce_or3A_169 = arith.cmpf ogt, %reduce_or3A_167, %reduce_or3A_168 : f32
          %convert_element_type3A = arith.extui %reduce_or3A_169 : i1 to i32
          %cond3A = arith.constant 0 : i32
          %cond3A_170 = arith.cmpi ne, %convert_element_type3A, %cond3A : i32
          %cond3A_171:2 = scf.if %cond3A_170 -> (vector<16xf32>, f32) {
            %sort3A = arith.constant dense<true> : vector<16xi1>
            %sort3A_172, %sort3A_173, %sort3A_174 = tpu.sort %add3A_158, %add3A_158 masked %sort3A : (vector<16xf32>, vector<16xf32>, vector<16xi1>) -> (vector<16xi1>, vector<16xf32>, vector<16xf32>)
            %rev3A = arith.constant 15 : i32
            %rev3A_175 = vector.broadcast %rev3A : i32 to vector<16xi32>
            %rev3A_176 = tpu.iota {dimensions = array<i32: 0>} : vector<16xi32>
            %rev3A_177 = arith.subi %rev3A_175, %rev3A_176 : vector<16xi32>
            %rev3A_178 = tpu.dynamic_gather %sort3A_173[%rev3A_177] in [0] : vector<16xf32>, vector<16xi32> -> vector<16xf32>
            %min3A = arith.minimumf %scan3A_133, %rev3A_178 : vector<16xf32>
            %sort3A_179 = arith.constant dense<true> : vector<16xi1>
            %sort3A_180, %sort3A_181, %sort3A_182 = tpu.sort %min3A, %min3A masked %sort3A_179 : (vector<16xf32>, vector<16xf32>, vector<16xi1>) -> (vector<16xi1>, vector<16xf32>, vector<16xf32>)
            %reduce_max3A = arith.constant true
            %reduce_max3A_183 = vector.broadcast %reduce_max3A : i1 to vector<16xi1>
            %reduce_max3A_184 = tpu.scan <max>, %sort3A_181 masked %reduce_max3A_183 : vector<16xf32>, vector<16xi1> -> vector<16xf32>
            %reduce_max3A_185 = vector.extract %reduce_max3A_184[15] : f32 from vector<16xf32>
            scf.yield %sort3A_181, %reduce_max3A_185 : vector<16xf32>, f32
          } else {
            scf.yield %scan3A_133, %scan3A_134 : vector<16xf32>, f32
          }
          scf.yield %cond3A_171#0, %cond3A_171#1 : vector<16xf32>, f32
        }
        %scan3A_102 = arith.constant 256 : i32
        %iota3A_103 = tpu.iota {dimensions = array<i32: 0>} : vector<16xi32>
        %eq3A_104 = arith.constant 9 : i32
        %eq3A_105 = vector.broadcast %eq3A_104 : i32 to vector<16xi32>
        %eq3A_106 = arith.cmpi eq, %iota3A_103, %eq3A_105 : vector<16xi32>
        %jit3A_107 = arith.constant 0x7F800000 : f32
        %broadcast_in_dim3A_108 = vector.broadcast %jit3A_107 : f32 to vector<16xf32>
        %select_n3A_109 = arith.select %eq3A_106, %scan3A_101#0, %broadcast_in_dim3A_108 : vector<16xi1>, vector<16xf32>
        %reduce_min3A_110 = arith.constant true
        %reduce_min3A_111 = vector.broadcast %reduce_min3A_110 : i1 to vector<16xi1>
        %reduce_min3A_112 = tpu.scan <min>, %select_n3A_109 masked %reduce_min3A_111 : vector<16xf32>, vector<16xi1> -> vector<16xf32>
        %reduce_min3A_113 = vector.extract %reduce_min3A_112[15] : f32 from vector<16xf32>
        %iota3A_114 = tpu.iota {dimensions = array<i32: 0>} : vector<16xi32>
        %eq3A_115 = arith.constant 10 : i32
        %eq3A_116 = vector.broadcast %eq3A_115 : i32 to vector<16xi32>
        %eq3A_117 = arith.cmpi eq, %iota3A_114, %eq3A_116 : vector<16xi32>
        %jit3A_118 = arith.constant 0x7F800000 : f32
        %broadcast_in_dim3A_119 = vector.broadcast %jit3A_118 : f32 to vector<16xf32>
        %select_n3A_120 = arith.select %eq3A_117, %scan3A_101#0, %broadcast_in_dim3A_119 : vector<16xi1>, vector<16xf32>
        %reduce_min3A_121 = arith.constant true
        %reduce_min3A_122 = vector.broadcast %reduce_min3A_121 : i1 to vector<16xi1>
        %reduce_min3A_123 = tpu.scan <min>, %select_n3A_120 masked %reduce_min3A_122 : vector<16xf32>, vector<16xi1> -> vector<16xf32>
        %reduce_min3A_124 = vector.extract %reduce_min3A_123[15] : f32 from vector<16xf32>
        %add3A_125 = arith.addf %reduce_min3A_113, %reduce_min3A_124 : f32
        %mul3A_126 = arith.constant 5.000000e-01 : f32
        %mul3A_127 = arith.mulf %mul3A_126, %add3A_125 : f32
        %eq3A_128 = vector.broadcast %scan3A_56 : i32 to vector<16xi32>
        %eq3A_129 = arith.cmpi eq, %iota3A, %eq3A_128 : vector<16xi32>
        %broadcast_in_dim3A_130 = vector.broadcast %mul3A_127 : f32 to vector<16xf32>
        %select_n3A_131 = arith.select %eq3A_129, %broadcast_in_dim3A_130, %scan3A_57 : vector<16xi1>, vector<16xf32>
        scf.yield %select_n3A_131 : vector<16xf32>
      }
      %scan3A_51 = arith.constant 16 : i32
      %mul3A_52 = arith.constant 16 : i32
      %mul3A_53 = arith.muli %scan3A_31, %mul3A_52 : i32
      %swap3A = arith.index_cast %mul3A_53 : i32 to index
      %swap3A_54 = tpu.vector_load %arg30[%swap3A] {strides = array<i32>} : memref<128xf32, #tpu.memory_space<vmem>>, vector<16xf32>,
      tpu.vector_store %arg30[%swap3A], %scan3A_50 {strides = array<i32>} : memref<128xf32, #tpu.memory_space<vmem>>, vector<16xf32>,
      %scan3A_55 = arith.constant 0 : i32
      scf.yield %scan3A_55 : i32
    }
    %scan3A_6 = arith.constant 8 : i32
    %mul3A_7 = arith.constant 128 : i32
    %mul3A_8 = arith.muli %add3A, %mul3A_7 : i32
    "tpu.region"() ({
      %run_scoped3A = tpu.sem_alloc : memref<!tpu.dma_semaphore, #tpu.memory_space<semaphore_mem>>
      %dma_start3A = tpu.memref_slice %arg14[%mul3A_8] : memref<4096xf32, #tpu.memory_space<hbm>> -> memref<128xf32, #tpu.memory_space<hbm>>
      %dma_start3A_31 = tpu.memref_slice %arg14[%mul3A_8] : memref<4096xf32, #tpu.memory_space<hbm>> -> memref<128xf32, #tpu.memory_space<hbm>>
      tpu.enqueue_dma source(%arg30 : memref<128xf32, #tpu.memory_space<vmem>>) target(%dma_start3A_31 : memref<128xf32, #tpu.memory_space<hbm>>) target_semaphore(%run_scoped3A : memref<!tpu.dma_semaphore, #tpu.memory_space<semaphore_mem>>)
      %dma_wait3A = tpu.memref_slice %arg14[%mul3A_8] : memref<4096xf32, #tpu.memory_space<hbm>> -> memref<128xf32, #tpu.memory_space<hbm>>
      %dma_wait3A_32 = tpu.memref_slice %arg14[%mul3A_8] : memref<4096xf32, #tpu.memory_space<hbm>> -> memref<128xf32, #tpu.memory_space<hbm>>
      tpu.wait_dma2 semaphore(%run_scoped3A : memref<!tpu.dma_semaphore, #tpu.memory_space<semaphore_mem>>) src(%arg30 : memref<128xf32, #tpu.memory_space<vmem>>) dst(%dma_wait3A_32 : memref<128xf32, #tpu.memory_space<hbm>>)
      tpu.yield
    }) : () -> ()
    %iota3A_9 = tpu.iota {dimensions = array<i32: 0>} : vector<16xi32>
    %scan3A_10 = arith.constant 0 : i32
    %scan3A_11 = arith.constant 0 : i32
    %scan3A_12 = arith.constant 8 : i32
    %scan3A_13 = arith.addi %scan3A_11, %scan3A_12 : i32
    %scan3A_14 = arith.constant 1 : i32
    %scan3A_15 = scf.for %scan3A_31 = %scan3A_11 to %scan3A_13 step %scan3A_14 iter_args(%scan3A_32 = %scan3A_10) -> (i32)  : i32 {
      %mul3A_33 = arith.constant 128 : i32
      %mul3A_34 = arith.muli %add3A, %mul3A_33 : i32
      %mul3A_35 = arith.constant 16 : i32
      %mul3A_36 = arith.muli %scan3A_31, %mul3A_35 : i32
      %add3A_37 = arith.addi %mul3A_34, %mul3A_36 : i32
      %get3A = arith.index_cast %add3A_37 : i32 to index
      %get3A_38 = tpu.vector_load %arg18[%get3A] {strides = array<i32>} : memref<4096xf32, #tpu.memory_space<vmem>>, vector<16xf32>,
      %get3A_39 = arith.index_cast %add3A_37 : i32 to index
      %get3A_40 = tpu.vector_load %arg19[%get3A_39] {strides = array<i32>} : memref<4096xf32, #tpu.memory_space<vmem>>, vector<16xf32>,
      %get3A_41 = arith.index_cast %add3A_37 : i32 to index
      %get3A_42 = tpu.vector_load %arg20[%get3A_41] {strides = array<i32>} : memref<4096xf32, #tpu.memory_space<vmem>>, vector<16xf32>,
      %get3A_43 = arith.index_cast %add3A_37 : i32 to index
      %get3A_44 = tpu.vector_load %arg21[%get3A_43] {strides = array<i32>} : memref<4096xf32, #tpu.memory_space<vmem>>, vector<16xf32>,
      %broadcast_in_dim3A = arith.constant 0.000000e+00 : f32
      %broadcast_in_dim3A_45 = vector.broadcast %broadcast_in_dim3A : f32 to vector<16xf32>
      %broadcast_in_dim3A_46 = arith.constant 0.000000e+00 : f32
      %broadcast_in_dim3A_47 = vector.broadcast %broadcast_in_dim3A_46 : f32 to vector<16xf32>
      %scan3A_48 = arith.constant 0 : i32
      %scan3A_49 = arith.constant 16 : i32
      %scan3A_50 = arith.addi %scan3A_48, %scan3A_49 : i32
      %scan3A_51 = arith.constant 1 : i32
      %scan3A_52:2 = scf.for %scan3A_62 = %scan3A_48 to %scan3A_50 step %scan3A_51 iter_args(%scan3A_63 = %broadcast_in_dim3A_45, %scan3A_64 = %broadcast_in_dim3A_47) -> (vector<16xf32>, vector<16xf32>)  : i32 {
        %iota3A_65 = tpu.iota {dimensions = array<i32: 0>} : vector<16xi32>
        %eq3A = vector.broadcast %scan3A_62 : i32 to vector<16xi32>
        %eq3A_66 = arith.cmpi eq, %iota3A_65, %eq3A : vector<16xi32>
        %jit3A = arith.constant 0x7F800000 : f32
        %broadcast_in_dim3A_67 = vector.broadcast %jit3A : f32 to vector<16xf32>
        %select_n3A = arith.select %eq3A_66, %get3A_38, %broadcast_in_dim3A_67 : vector<16xi1>, vector<16xf32>
        %reduce_min3A = arith.constant true
        %reduce_min3A_68 = vector.broadcast %reduce_min3A : i1 to vector<16xi1>
        %reduce_min3A_69 = tpu.scan <min>, %select_n3A masked %reduce_min3A_68 : vector<16xf32>, vector<16xi1> -> vector<16xf32>
        %reduce_min3A_70 = vector.extract %reduce_min3A_69[15] : f32 from vector<16xf32>
        %iota3A_71 = tpu.iota {dimensions = array<i32: 0>} : vector<16xi32>
        %eq3A_72 = vector.broadcast %scan3A_62 : i32 to vector<16xi32>
        %eq3A_73 = arith.cmpi eq, %iota3A_71, %eq3A_72 : vector<16xi32>
        %jit3A_74 = arith.constant 0x7F800000 : f32
        %broadcast_in_dim3A_75 = vector.broadcast %jit3A_74 : f32 to vector<16xf32>
        %select_n3A_76 = arith.select %eq3A_73, %get3A_40, %broadcast_in_dim3A_75 : vector<16xi1>, vector<16xf32>
        %reduce_min3A_77 = arith.constant true
        %reduce_min3A_78 = vector.broadcast %reduce_min3A_77 : i1 to vector<16xi1>
        %reduce_min3A_79 = tpu.scan <min>, %select_n3A_76 masked %reduce_min3A_78 : vector<16xf32>, vector<16xi1> -> vector<16xf32>
        %reduce_min3A_80 = vector.extract %reduce_min3A_79[15] : f32 from vector<16xf32>
        %iota3A_81 = tpu.iota {dimensions = array<i32: 0>} : vector<16xi32>
        %eq3A_82 = vector.broadcast %scan3A_62 : i32 to vector<16xi32>
        %eq3A_83 = arith.cmpi eq, %iota3A_81, %eq3A_82 : vector<16xi32>
        %jit3A_84 = arith.constant 0x7F800000 : f32
        %broadcast_in_dim3A_85 = vector.broadcast %jit3A_84 : f32 to vector<16xf32>
        %select_n3A_86 = arith.select %eq3A_83, %get3A_42, %broadcast_in_dim3A_85 : vector<16xi1>, vector<16xf32>
        %reduce_min3A_87 = arith.constant true
        %reduce_min3A_88 = vector.broadcast %reduce_min3A_87 : i1 to vector<16xi1>
        %reduce_min3A_89 = tpu.scan <min>, %select_n3A_86 masked %reduce_min3A_88 : vector<16xf32>, vector<16xi1> -> vector<16xf32>
        %reduce_min3A_90 = vector.extract %reduce_min3A_89[15] : f32 from vector<16xf32>
        %iota3A_91 = tpu.iota {dimensions = array<i32: 0>} : vector<16xi32>
        %eq3A_92 = vector.broadcast %scan3A_62 : i32 to vector<16xi32>
        %eq3A_93 = arith.cmpi eq, %iota3A_91, %eq3A_92 : vector<16xi32>
        %jit3A_94 = arith.constant 0x7F800000 : f32
        %broadcast_in_dim3A_95 = vector.broadcast %jit3A_94 : f32 to vector<16xf32>
        %select_n3A_96 = arith.select %eq3A_93, %get3A_44, %broadcast_in_dim3A_95 : vector<16xi1>, vector<16xf32>
        %reduce_min3A_97 = arith.constant true
        %reduce_min3A_98 = vector.broadcast %reduce_min3A_97 : i1 to vector<16xi1>
        %reduce_min3A_99 = tpu.scan <min>, %select_n3A_96 masked %reduce_min3A_98 : vector<16xf32>, vector<16xi1> -> vector<16xf32>
        %reduce_min3A_100 = vector.extract %reduce_min3A_99[15] : f32 from vector<16xf32>
        %broadcast_in_dim3A_101 = arith.constant 0x7F800000 : f32
        %broadcast_in_dim3A_102 = vector.broadcast %broadcast_in_dim3A_101 : f32 to vector<16xf32>
        %scan3A_103 = arith.constant 0x7F800000 : f32
        %scan3A_104 = arith.constant 0 : i32
        %scan3A_105 = arith.constant 256 : i32
        %scan3A_106 = arith.addi %scan3A_104, %scan3A_105 : i32
        %scan3A_107 = arith.constant 1 : i32
        %scan3A_108:2 = scf.for %scan3A_168 = %scan3A_104 to %scan3A_106 step %scan3A_107 iter_args(%scan3A_169 = %broadcast_in_dim3A_102, %scan3A_170 = %scan3A_103) -> (vector<16xf32>, f32)  : i32 {
          %mul3A_171 = arith.constant 16 : i32
          %mul3A_172 = arith.muli %scan3A_168, %mul3A_171 : i32
          %get3A_173 = arith.index_cast %mul3A_172 : i32 to index
          %get3A_174 = tpu.vector_load %arg18[%get3A_173] {strides = array<i32>} : memref<4096xf32, #tpu.memory_space<vmem>>, vector<16xf32>,
          %mul3A_175 = vector.broadcast %reduce_min3A_70 : f32 to vector<16xf32>
          %mul3A_176 = arith.mulf %mul3A_175, %get3A_174 : vector<16xf32>
          %get3A_177 = arith.index_cast %mul3A_172 : i32 to index
          %get3A_178 = tpu.vector_load %arg19[%get3A_177] {strides = array<i32>} : memref<4096xf32, #tpu.memory_space<vmem>>, vector<16xf32>,
          %mul3A_179 = vector.broadcast %reduce_min3A_80 : f32 to vector<16xf32>
          %mul3A_180 = arith.mulf %mul3A_179, %get3A_178 : vector<16xf32>
          %add3A_181 = arith.addf %mul3A_176, %mul3A_180 : vector<16xf32>
          %get3A_182 = arith.index_cast %mul3A_172 : i32 to index
          %get3A_183 = tpu.vector_load %arg20[%get3A_182] {strides = array<i32>} : memref<4096xf32, #tpu.memory_space<vmem>>, vector<16xf32>,
          %mul3A_184 = vector.broadcast %reduce_min3A_90 : f32 to vector<16xf32>
          %mul3A_185 = arith.mulf %mul3A_184, %get3A_183 : vector<16xf32>
          %add3A_186 = arith.addf %add3A_181, %mul3A_185 : vector<16xf32>
          %mul3A_187 = arith.constant -2.000000e+00 : f32
          %mul3A_188 = vector.broadcast %mul3A_187 : f32 to vector<16xf32>
          %mul3A_189 = arith.mulf %mul3A_188, %add3A_186 : vector<16xf32>
          %add3A_190 = vector.broadcast %reduce_min3A_100 : f32 to vector<16xf32>
          %add3A_191 = arith.addf %mul3A_189, %add3A_190 : vector<16xf32>
          %get3A_192 = arith.index_cast %mul3A_172 : i32 to index
          %get3A_193 = tpu.vector_load %arg21[%get3A_192] {strides = array<i32>} : memref<4096xf32, #tpu.memory_space<vmem>>, vector<16xf32>,
          %add3A_194 = arith.addf %add3A_191, %get3A_193 : vector<16xf32>
          %lt3A = vector.broadcast %scan3A_170 : f32 to vector<16xf32>
          %lt3A_195 = arith.cmpf olt, %add3A_194, %lt3A : vector<16xf32>
          %reduce_or3A = arith.constant 1.000000e+00 : f32
          %reduce_or3A_196 = arith.constant 0.000000e+00 : f32
          %reduce_or3A_197 = vector.broadcast %reduce_or3A : f32 to vector<16xf32>
          %reduce_or3A_198 = vector.broadcast %reduce_or3A_196 : f32 to vector<16xf32>
          %reduce_or3A_199 = arith.select %lt3A_195, %reduce_or3A_197, %reduce_or3A_198 : vector<16xi1>, vector<16xf32>
          %reduce_or3A_200 = arith.constant true
          %reduce_or3A_201 = vector.broadcast %reduce_or3A_200 : i1 to vector<16xi1>
          %reduce_or3A_202 = tpu.scan <max>, %reduce_or3A_199 masked %reduce_or3A_201 : vector<16xf32>, vector<16xi1> -> vector<16xf32>
          %reduce_or3A_203 = vector.extract %reduce_or3A_202[15] : f32 from vector<16xf32>
          %reduce_or3A_204 = arith.constant 0.000000e+00 : f32
          %reduce_or3A_205 = arith.cmpf ogt, %reduce_or3A_203, %reduce_or3A_204 : f32
          %convert_element_type3A = arith.extui %reduce_or3A_205 : i1 to i32
          %cond3A = arith.constant 0 : i32
          %cond3A_206 = arith.cmpi ne, %convert_element_type3A, %cond3A : i32
          %cond3A_207:2 = scf.if %cond3A_206 -> (vector<16xf32>, f32) {
            %sort3A = arith.constant dense<true> : vector<16xi1>
            %sort3A_208, %sort3A_209, %sort3A_210 = tpu.sort %add3A_194, %add3A_194 masked %sort3A : (vector<16xf32>, vector<16xf32>, vector<16xi1>) -> (vector<16xi1>, vector<16xf32>, vector<16xf32>)
            %rev3A = arith.constant 15 : i32
            %rev3A_211 = vector.broadcast %rev3A : i32 to vector<16xi32>
            %rev3A_212 = tpu.iota {dimensions = array<i32: 0>} : vector<16xi32>
            %rev3A_213 = arith.subi %rev3A_211, %rev3A_212 : vector<16xi32>
            %rev3A_214 = tpu.dynamic_gather %sort3A_209[%rev3A_213] in [0] : vector<16xf32>, vector<16xi32> -> vector<16xf32>
            %min3A = arith.minimumf %scan3A_169, %rev3A_214 : vector<16xf32>
            %sort3A_215 = arith.constant dense<true> : vector<16xi1>
            %sort3A_216, %sort3A_217, %sort3A_218 = tpu.sort %min3A, %min3A masked %sort3A_215 : (vector<16xf32>, vector<16xf32>, vector<16xi1>) -> (vector<16xi1>, vector<16xf32>, vector<16xf32>)
            %reduce_max3A = arith.constant true
            %reduce_max3A_219 = vector.broadcast %reduce_max3A : i1 to vector<16xi1>
            %reduce_max3A_220 = tpu.scan <max>, %sort3A_217 masked %reduce_max3A_219 : vector<16xf32>, vector<16xi1> -> vector<16xf32>
            %reduce_max3A_221 = vector.extract %reduce_max3A_220[15] : f32 from vector<16xf32>
            scf.yield %sort3A_217, %reduce_max3A_221 : vector<16xf32>, f32
          } else {
            scf.yield %scan3A_169, %scan3A_170 : vector<16xf32>, f32
          }
          scf.yield %cond3A_207#0, %cond3A_207#1 : vector<16xf32>, f32
        }
        %scan3A_109 = arith.constant 256 : i32
        %iota3A_110 = tpu.iota {dimensions = array<i32: 0>} : vector<16xi32>
        %eq3A_111 = arith.constant 9 : i32
        %eq3A_112 = vector.broadcast %eq3A_111 : i32 to vector<16xi32>
        %eq3A_113 = arith.cmpi eq, %iota3A_110, %eq3A_112 : vector<16xi32>
        %jit3A_114 = arith.constant 0x7F800000 : f32
        %broadcast_in_dim3A_115 = vector.broadcast %jit3A_114 : f32 to vector<16xf32>
        %select_n3A_116 = arith.select %eq3A_113, %scan3A_108#0, %broadcast_in_dim3A_115 : vector<16xi1>, vector<16xf32>
        %reduce_min3A_117 = arith.constant true
        %reduce_min3A_118 = vector.broadcast %reduce_min3A_117 : i1 to vector<16xi1>
        %reduce_min3A_119 = tpu.scan <min>, %select_n3A_116 masked %reduce_min3A_118 : vector<16xf32>, vector<16xi1> -> vector<16xf32>
        %reduce_min3A_120 = vector.extract %reduce_min3A_119[15] : f32 from vector<16xf32>
        %iota3A_121 = tpu.iota {dimensions = array<i32: 0>} : vector<16xi32>
        %eq3A_122 = arith.constant 10 : i32
        %eq3A_123 = vector.broadcast %eq3A_122 : i32 to vector<16xi32>
        %eq3A_124 = arith.cmpi eq, %iota3A_121, %eq3A_123 : vector<16xi32>
        %jit3A_125 = arith.constant 0x7F800000 : f32
        %broadcast_in_dim3A_126 = vector.broadcast %jit3A_125 : f32 to vector<16xf32>
        %select_n3A_127 = arith.select %eq3A_124, %scan3A_108#0, %broadcast_in_dim3A_126 : vector<16xi1>, vector<16xf32>
        %reduce_min3A_128 = arith.constant true
        %reduce_min3A_129 = vector.broadcast %reduce_min3A_128 : i1 to vector<16xi1>
        %reduce_min3A_130 = tpu.scan <min>, %select_n3A_127 masked %reduce_min3A_129 : vector<16xf32>, vector<16xi1> -> vector<16xf32>
        %reduce_min3A_131 = vector.extract %reduce_min3A_130[15] : f32 from vector<16xf32>
        %add3A_132 = arith.addf %reduce_min3A_120, %reduce_min3A_131 : f32
        %mul3A_133 = arith.constant 5.000000e-01 : f32
        %mul3A_134 = arith.mulf %mul3A_133, %add3A_132 : f32
        %eq3A_135 = vector.broadcast %scan3A_62 : i32 to vector<16xi32>
        %eq3A_136 = arith.cmpi eq, %iota3A_9, %eq3A_135 : vector<16xi32>
        %broadcast_in_dim3A_137 = vector.broadcast %mul3A_134 : f32 to vector<16xf32>
        %select_n3A_138 = arith.select %eq3A_136, %broadcast_in_dim3A_137, %scan3A_63 : vector<16xi1>, vector<16xf32>
        %iota3A_139 = tpu.iota {dimensions = array<i32: 0>} : vector<16xi32>
        %eq3A_140 = arith.constant 8 : i32
        %eq3A_141 = vector.broadcast %eq3A_140 : i32 to vector<16xi32>
        %eq3A_142 = arith.cmpi eq, %iota3A_139, %eq3A_141 : vector<16xi32>
        %jit3A_143 = arith.constant 0x7F800000 : f32
        %broadcast_in_dim3A_144 = vector.broadcast %jit3A_143 : f32 to vector<16xf32>
        %select_n3A_145 = arith.select %eq3A_142, %scan3A_108#0, %broadcast_in_dim3A_144 : vector<16xi1>, vector<16xf32>
        %reduce_min3A_146 = arith.constant true
        %reduce_min3A_147 = vector.broadcast %reduce_min3A_146 : i1 to vector<16xi1>
        %reduce_min3A_148 = tpu.scan <min>, %select_n3A_145 masked %reduce_min3A_147 : vector<16xf32>, vector<16xi1> -> vector<16xf32>
        %reduce_min3A_149 = vector.extract %reduce_min3A_148[15] : f32 from vector<16xf32>
        %iota3A_150 = tpu.iota {dimensions = array<i32: 0>} : vector<16xi32>
        %eq3A_151 = arith.constant 9 : i32
        %eq3A_152 = vector.broadcast %eq3A_151 : i32 to vector<16xi32>
        %eq3A_153 = arith.cmpi eq, %iota3A_150, %eq3A_152 : vector<16xi32>
        %jit3A_154 = arith.constant 0x7F800000 : f32
        %broadcast_in_dim3A_155 = vector.broadcast %jit3A_154 : f32 to vector<16xf32>
        %select_n3A_156 = arith.select %eq3A_153, %scan3A_108#0, %broadcast_in_dim3A_155 : vector<16xi1>, vector<16xf32>
        %reduce_min3A_157 = arith.constant true
        %reduce_min3A_158 = vector.broadcast %reduce_min3A_157 : i1 to vector<16xi1>
        %reduce_min3A_159 = tpu.scan <min>, %select_n3A_156 masked %reduce_min3A_158 : vector<16xf32>, vector<16xi1> -> vector<16xf32>
        %reduce_min3A_160 = vector.extract %reduce_min3A_159[15] : f32 from vector<16xf32>
        %add3A_161 = arith.addf %reduce_min3A_149, %reduce_min3A_160 : f32
        %mul3A_162 = arith.constant 5.000000e-01 : f32
        %mul3A_163 = arith.mulf %mul3A_162, %add3A_161 : f32
        %eq3A_164 = vector.broadcast %scan3A_62 : i32 to vector<16xi32>
        %eq3A_165 = arith.cmpi eq, %iota3A_9, %eq3A_164 : vector<16xi32>
        %broadcast_in_dim3A_166 = vector.broadcast %mul3A_163 : f32 to vector<16xf32>
        %select_n3A_167 = arith.select %eq3A_165, %broadcast_in_dim3A_166, %scan3A_64 : vector<16xi1>, vector<16xf32>
        scf.yield %select_n3A_138, %select_n3A_167 : vector<16xf32>, vector<16xf32>
      }
      %scan3A_53 = arith.constant 16 : i32
      %mul3A_54 = arith.constant 16 : i32
      %mul3A_55 = arith.muli %scan3A_31, %mul3A_54 : i32
      %swap3A = arith.index_cast %mul3A_55 : i32 to index
      %swap3A_56 = tpu.vector_load %arg31[%swap3A] {strides = array<i32>} : memref<128xf32, #tpu.memory_space<vmem>>, vector<16xf32>,
      tpu.vector_store %arg31[%swap3A], %scan3A_52#0 {strides = array<i32>} : memref<128xf32, #tpu.memory_space<vmem>>, vector<16xf32>,
      %mul3A_57 = arith.constant 16 : i32
      %mul3A_58 = arith.muli %scan3A_31, %mul3A_57 : i32
      %swap3A_59 = arith.index_cast %mul3A_58 : i32 to index
      %swap3A_60 = tpu.vector_load %arg32[%swap3A_59] {strides = array<i32>} : memref<128xf32, #tpu.memory_space<vmem>>, vector<16xf32>,
      tpu.vector_store %arg32[%swap3A_59], %scan3A_52#1 {strides = array<i32>} : memref<128xf32, #tpu.memory_space<vmem>>, vector<16xf32>,
      %scan3A_61 = arith.constant 0 : i32
      scf.yield %scan3A_61 : i32
    }
    %scan3A_16 = arith.constant 8 : i32
    %mul3A_17 = arith.constant 128 : i32
    %mul3A_18 = arith.muli %add3A, %mul3A_17 : i32
    "tpu.region"() ({
      %run_scoped3A = tpu.sem_alloc : memref<!tpu.dma_semaphore, #tpu.memory_space<semaphore_mem>>
      %dma_start3A = tpu.memref_slice %arg15[%mul3A_18] : memref<4096xf32, #tpu.memory_space<hbm>> -> memref<128xf32, #tpu.memory_space<hbm>>
      %dma_start3A_31 = tpu.memref_slice %arg15[%mul3A_18] : memref<4096xf32, #tpu.memory_space<hbm>> -> memref<128xf32, #tpu.memory_space<hbm>>
      tpu.enqueue_dma source(%arg31 : memref<128xf32, #tpu.memory_space<vmem>>) target(%dma_start3A_31 : memref<128xf32, #tpu.memory_space<hbm>>) target_semaphore(%run_scoped3A : memref<!tpu.dma_semaphore, #tpu.memory_space<semaphore_mem>>)
      %dma_wait3A = tpu.memref_slice %arg15[%mul3A_18] : memref<4096xf32, #tpu.memory_space<hbm>> -> memref<128xf32, #tpu.memory_space<hbm>>
      %dma_wait3A_32 = tpu.memref_slice %arg15[%mul3A_18] : memref<4096xf32, #tpu.memory_space<hbm>> -> memref<128xf32, #tpu.memory_space<hbm>>
      tpu.wait_dma2 semaphore(%run_scoped3A : memref<!tpu.dma_semaphore, #tpu.memory_space<semaphore_mem>>) src(%arg31 : memref<128xf32, #tpu.memory_space<vmem>>) dst(%dma_wait3A_32 : memref<128xf32, #tpu.memory_space<hbm>>)
      tpu.yield
    }) : () -> ()
    %mul3A_19 = arith.constant 128 : i32
    %mul3A_20 = arith.muli %add3A, %mul3A_19 : i32
    "tpu.region"() ({
      %run_scoped3A = tpu.sem_alloc : memref<!tpu.dma_semaphore, #tpu.memory_space<semaphore_mem>>
      %dma_start3A = tpu.memref_slice %arg16[%mul3A_20] : memref<4096xf32, #tpu.memory_space<hbm>> -> memref<128xf32, #tpu.memory_space<hbm>>
      %dma_start3A_31 = tpu.memref_slice %arg16[%mul3A_20] : memref<4096xf32, #tpu.memory_space<hbm>> -> memref<128xf32, #tpu.memory_space<hbm>>
      tpu.enqueue_dma source(%arg32 : memref<128xf32, #tpu.memory_space<vmem>>) target(%dma_start3A_31 : memref<128xf32, #tpu.memory_space<hbm>>) target_semaphore(%run_scoped3A : memref<!tpu.dma_semaphore, #tpu.memory_space<semaphore_mem>>)
      %dma_wait3A = tpu.memref_slice %arg16[%mul3A_20] : memref<4096xf32, #tpu.memory_space<hbm>> -> memref<128xf32, #tpu.memory_space<hbm>>
      %dma_wait3A_32 = tpu.memref_slice %arg16[%mul3A_20] : memref<4096xf32, #tpu.memory_space<hbm>> -> memref<128xf32, #tpu.memory_space<hbm>>
      tpu.wait_dma2 semaphore(%run_scoped3A : memref<!tpu.dma_semaphore, #tpu.memory_space<semaphore_mem>>) src(%arg32 : memref<128xf32, #tpu.memory_space<vmem>>) dst(%dma_wait3A_32 : memref<128xf32, #tpu.memory_space<hbm>>)
      tpu.yield
    }) : () -> ()
    %iota3A_21 = tpu.iota {dimensions = array<i32: 0>} : vector<16xi32>
    %scan3A_22 = arith.constant 0 : i32
    %scan3A_23 = arith.constant 0 : i32
    %scan3A_24 = arith.constant 8 : i32
    %scan3A_25 = arith.addi %scan3A_23, %scan3A_24 : i32
    %scan3A_26 = arith.constant 1 : i32
    %scan3A_27 = scf.for %scan3A_31 = %scan3A_23 to %scan3A_25 step %scan3A_26 iter_args(%scan3A_32 = %scan3A_22) -> (i32)  : i32 {
      %mul3A_33 = arith.constant 128 : i32
      %mul3A_34 = arith.muli %add3A, %mul3A_33 : i32
      %mul3A_35 = arith.constant 16 : i32
      %mul3A_36 = arith.muli %scan3A_31, %mul3A_35 : i32
      %add3A_37 = arith.addi %mul3A_34, %mul3A_36 : i32
      %get3A = arith.index_cast %add3A_37 : i32 to index
      %get3A_38 = tpu.vector_load %arg26[%get3A] {strides = array<i32>} : memref<4096xf32, #tpu.memory_space<vmem>>, vector<16xf32>,
      %get3A_39 = arith.index_cast %add3A_37 : i32 to index
      %get3A_40 = tpu.vector_load %arg27[%get3A_39] {strides = array<i32>} : memref<4096xf32, #tpu.memory_space<vmem>>, vector<16xf32>,
      %get3A_41 = arith.index_cast %add3A_37 : i32 to index
      %get3A_42 = tpu.vector_load %arg28[%get3A_41] {strides = array<i32>} : memref<4096xf32, #tpu.memory_space<vmem>>, vector<16xf32>,
      %get3A_43 = arith.index_cast %add3A_37 : i32 to index
      %get3A_44 = tpu.vector_load %arg29[%get3A_43] {strides = array<i32>} : memref<4096xf32, #tpu.memory_space<vmem>>, vector<16xf32>,
      %broadcast_in_dim3A = arith.constant 0.000000e+00 : f32
      %broadcast_in_dim3A_45 = vector.broadcast %broadcast_in_dim3A : f32 to vector<16xf32>
      %scan3A_46 = arith.constant 0 : i32
      %scan3A_47 = arith.constant 16 : i32
      %scan3A_48 = arith.addi %scan3A_46, %scan3A_47 : i32
      %scan3A_49 = arith.constant 1 : i32
      %scan3A_50 = scf.for %scan3A_56 = %scan3A_46 to %scan3A_48 step %scan3A_49 iter_args(%scan3A_57 = %broadcast_in_dim3A_45) -> (vector<16xf32>)  : i32 {
        %iota3A_58 = tpu.iota {dimensions = array<i32: 0>} : vector<16xi32>
        %eq3A = vector.broadcast %scan3A_56 : i32 to vector<16xi32>
        %eq3A_59 = arith.cmpi eq, %iota3A_58, %eq3A : vector<16xi32>
        %jit3A = arith.constant 0x7F800000 : f32
        %broadcast_in_dim3A_60 = vector.broadcast %jit3A : f32 to vector<16xf32>
        %select_n3A = arith.select %eq3A_59, %get3A_38, %broadcast_in_dim3A_60 : vector<16xi1>, vector<16xf32>
        %reduce_min3A = arith.constant true
        %reduce_min3A_61 = vector.broadcast %reduce_min3A : i1 to vector<16xi1>
        %reduce_min3A_62 = tpu.scan <min>, %select_n3A masked %reduce_min3A_61 : vector<16xf32>, vector<16xi1> -> vector<16xf32>
        %reduce_min3A_63 = vector.extract %reduce_min3A_62[15] : f32 from vector<16xf32>
        %iota3A_64 = tpu.iota {dimensions = array<i32: 0>} : vector<16xi32>
        %eq3A_65 = vector.broadcast %scan3A_56 : i32 to vector<16xi32>
        %eq3A_66 = arith.cmpi eq, %iota3A_64, %eq3A_65 : vector<16xi32>
        %jit3A_67 = arith.constant 0x7F800000 : f32
        %broadcast_in_dim3A_68 = vector.broadcast %jit3A_67 : f32 to vector<16xf32>
        %select_n3A_69 = arith.select %eq3A_66, %get3A_40, %broadcast_in_dim3A_68 : vector<16xi1>, vector<16xf32>
        %reduce_min3A_70 = arith.constant true
        %reduce_min3A_71 = vector.broadcast %reduce_min3A_70 : i1 to vector<16xi1>
        %reduce_min3A_72 = tpu.scan <min>, %select_n3A_69 masked %reduce_min3A_71 : vector<16xf32>, vector<16xi1> -> vector<16xf32>
        %reduce_min3A_73 = vector.extract %reduce_min3A_72[15] : f32 from vector<16xf32>
        %iota3A_74 = tpu.iota {dimensions = array<i32: 0>} : vector<16xi32>
        %eq3A_75 = vector.broadcast %scan3A_56 : i32 to vector<16xi32>
        %eq3A_76 = arith.cmpi eq, %iota3A_74, %eq3A_75 : vector<16xi32>
        %jit3A_77 = arith.constant 0x7F800000 : f32
        %broadcast_in_dim3A_78 = vector.broadcast %jit3A_77 : f32 to vector<16xf32>
        %select_n3A_79 = arith.select %eq3A_76, %get3A_42, %broadcast_in_dim3A_78 : vector<16xi1>, vector<16xf32>
        %reduce_min3A_80 = arith.constant true
        %reduce_min3A_81 = vector.broadcast %reduce_min3A_80 : i1 to vector<16xi1>
        %reduce_min3A_82 = tpu.scan <min>, %select_n3A_79 masked %reduce_min3A_81 : vector<16xf32>, vector<16xi1> -> vector<16xf32>
        %reduce_min3A_83 = vector.extract %reduce_min3A_82[15] : f32 from vector<16xf32>
        %iota3A_84 = tpu.iota {dimensions = array<i32: 0>} : vector<16xi32>
        %eq3A_85 = vector.broadcast %scan3A_56 : i32 to vector<16xi32>
        %eq3A_86 = arith.cmpi eq, %iota3A_84, %eq3A_85 : vector<16xi32>
        %jit3A_87 = arith.constant 0x7F800000 : f32
        %broadcast_in_dim3A_88 = vector.broadcast %jit3A_87 : f32 to vector<16xf32>
        %select_n3A_89 = arith.select %eq3A_86, %get3A_44, %broadcast_in_dim3A_88 : vector<16xi1>, vector<16xf32>
        %reduce_min3A_90 = arith.constant true
        %reduce_min3A_91 = vector.broadcast %reduce_min3A_90 : i1 to vector<16xi1>
        %reduce_min3A_92 = tpu.scan <min>, %select_n3A_89 masked %reduce_min3A_91 : vector<16xf32>, vector<16xi1> -> vector<16xf32>
        %reduce_min3A_93 = vector.extract %reduce_min3A_92[15] : f32 from vector<16xf32>
        %broadcast_in_dim3A_94 = arith.constant 0x7F800000 : f32
        %broadcast_in_dim3A_95 = vector.broadcast %broadcast_in_dim3A_94 : f32 to vector<16xf32>
        %scan3A_96 = arith.constant 0x7F800000 : f32
        %scan3A_97 = arith.constant 0 : i32
        %scan3A_98 = arith.constant 256 : i32
        %scan3A_99 = arith.addi %scan3A_97, %scan3A_98 : i32
        %scan3A_100 = arith.constant 1 : i32
        %scan3A_101:2 = scf.for %scan3A_132 = %scan3A_97 to %scan3A_99 step %scan3A_100 iter_args(%scan3A_133 = %broadcast_in_dim3A_95, %scan3A_134 = %scan3A_96) -> (vector<16xf32>, f32)  : i32 {
          %mul3A_135 = arith.constant 16 : i32
          %mul3A_136 = arith.muli %scan3A_132, %mul3A_135 : i32
          %get3A_137 = arith.index_cast %mul3A_136 : i32 to index
          %get3A_138 = tpu.vector_load %arg22[%get3A_137] {strides = array<i32>} : memref<4096xf32, #tpu.memory_space<vmem>>, vector<16xf32>,
          %mul3A_139 = vector.broadcast %reduce_min3A_63 : f32 to vector<16xf32>
          %mul3A_140 = arith.mulf %mul3A_139, %get3A_138 : vector<16xf32>
          %get3A_141 = arith.index_cast %mul3A_136 : i32 to index
          %get3A_142 = tpu.vector_load %arg23[%get3A_141] {strides = array<i32>} : memref<4096xf32, #tpu.memory_space<vmem>>, vector<16xf32>,
          %mul3A_143 = vector.broadcast %reduce_min3A_73 : f32 to vector<16xf32>
          %mul3A_144 = arith.mulf %mul3A_143, %get3A_142 : vector<16xf32>
          %add3A_145 = arith.addf %mul3A_140, %mul3A_144 : vector<16xf32>
          %get3A_146 = arith.index_cast %mul3A_136 : i32 to index
          %get3A_147 = tpu.vector_load %arg24[%get3A_146] {strides = array<i32>} : memref<4096xf32, #tpu.memory_space<vmem>>, vector<16xf32>,
          %mul3A_148 = vector.broadcast %reduce_min3A_83 : f32 to vector<16xf32>
          %mul3A_149 = arith.mulf %mul3A_148, %get3A_147 : vector<16xf32>
          %add3A_150 = arith.addf %add3A_145, %mul3A_149 : vector<16xf32>
          %mul3A_151 = arith.constant -2.000000e+00 : f32
          %mul3A_152 = vector.broadcast %mul3A_151 : f32 to vector<16xf32>
          %mul3A_153 = arith.mulf %mul3A_152, %add3A_150 : vector<16xf32>
          %add3A_154 = vector.broadcast %reduce_min3A_93 : f32 to vector<16xf32>
          %add3A_155 = arith.addf %mul3A_153, %add3A_154 : vector<16xf32>
          %get3A_156 = arith.index_cast %mul3A_136 : i32 to index
          %get3A_157 = tpu.vector_load %arg25[%get3A_156] {strides = array<i32>} : memref<4096xf32, #tpu.memory_space<vmem>>, vector<16xf32>,
          %add3A_158 = arith.addf %add3A_155, %get3A_157 : vector<16xf32>
          %lt3A = vector.broadcast %scan3A_134 : f32 to vector<16xf32>
          %lt3A_159 = arith.cmpf olt, %add3A_158, %lt3A : vector<16xf32>
          %reduce_or3A = arith.constant 1.000000e+00 : f32
          %reduce_or3A_160 = arith.constant 0.000000e+00 : f32
          %reduce_or3A_161 = vector.broadcast %reduce_or3A : f32 to vector<16xf32>
          %reduce_or3A_162 = vector.broadcast %reduce_or3A_160 : f32 to vector<16xf32>
          %reduce_or3A_163 = arith.select %lt3A_159, %reduce_or3A_161, %reduce_or3A_162 : vector<16xi1>, vector<16xf32>
          %reduce_or3A_164 = arith.constant true
          %reduce_or3A_165 = vector.broadcast %reduce_or3A_164 : i1 to vector<16xi1>
          %reduce_or3A_166 = tpu.scan <max>, %reduce_or3A_163 masked %reduce_or3A_165 : vector<16xf32>, vector<16xi1> -> vector<16xf32>
          %reduce_or3A_167 = vector.extract %reduce_or3A_166[15] : f32 from vector<16xf32>
          %reduce_or3A_168 = arith.constant 0.000000e+00 : f32
          %reduce_or3A_169 = arith.cmpf ogt, %reduce_or3A_167, %reduce_or3A_168 : f32
          %convert_element_type3A = arith.extui %reduce_or3A_169 : i1 to i32
          %cond3A = arith.constant 0 : i32
          %cond3A_170 = arith.cmpi ne, %convert_element_type3A, %cond3A : i32
          %cond3A_171:2 = scf.if %cond3A_170 -> (vector<16xf32>, f32) {
            %sort3A = arith.constant dense<true> : vector<16xi1>
            %sort3A_172, %sort3A_173, %sort3A_174 = tpu.sort %add3A_158, %add3A_158 masked %sort3A : (vector<16xf32>, vector<16xf32>, vector<16xi1>) -> (vector<16xi1>, vector<16xf32>, vector<16xf32>)
            %rev3A = arith.constant 15 : i32
            %rev3A_175 = vector.broadcast %rev3A : i32 to vector<16xi32>
            %rev3A_176 = tpu.iota {dimensions = array<i32: 0>} : vector<16xi32>
            %rev3A_177 = arith.subi %rev3A_175, %rev3A_176 : vector<16xi32>
            %rev3A_178 = tpu.dynamic_gather %sort3A_173[%rev3A_177] in [0] : vector<16xf32>, vector<16xi32> -> vector<16xf32>
            %min3A = arith.minimumf %scan3A_133, %rev3A_178 : vector<16xf32>
            %sort3A_179 = arith.constant dense<true> : vector<16xi1>
            %sort3A_180, %sort3A_181, %sort3A_182 = tpu.sort %min3A, %min3A masked %sort3A_179 : (vector<16xf32>, vector<16xf32>, vector<16xi1>) -> (vector<16xi1>, vector<16xf32>, vector<16xf32>)
            %reduce_max3A = arith.constant true
            %reduce_max3A_183 = vector.broadcast %reduce_max3A : i1 to vector<16xi1>
            %reduce_max3A_184 = tpu.scan <max>, %sort3A_181 masked %reduce_max3A_183 : vector<16xf32>, vector<16xi1> -> vector<16xf32>
            %reduce_max3A_185 = vector.extract %reduce_max3A_184[15] : f32 from vector<16xf32>
            scf.yield %sort3A_181, %reduce_max3A_185 : vector<16xf32>, f32
          } else {
            scf.yield %scan3A_133, %scan3A_134 : vector<16xf32>, f32
          }
          scf.yield %cond3A_171#0, %cond3A_171#1 : vector<16xf32>, f32
        }
        %scan3A_102 = arith.constant 256 : i32
        %iota3A_103 = tpu.iota {dimensions = array<i32: 0>} : vector<16xi32>
        %eq3A_104 = arith.constant 4 : i32
        %eq3A_105 = vector.broadcast %eq3A_104 : i32 to vector<16xi32>
        %eq3A_106 = arith.cmpi eq, %iota3A_103, %eq3A_105 : vector<16xi32>
        %jit3A_107 = arith.constant 0x7F800000 : f32
        %broadcast_in_dim3A_108 = vector.broadcast %jit3A_107 : f32 to vector<16xf32>
        %select_n3A_109 = arith.select %eq3A_106, %scan3A_101#0, %broadcast_in_dim3A_108 : vector<16xi1>, vector<16xf32>
        %reduce_min3A_110 = arith.constant true
        %reduce_min3A_111 = vector.broadcast %reduce_min3A_110 : i1 to vector<16xi1>
        %reduce_min3A_112 = tpu.scan <min>, %select_n3A_109 masked %reduce_min3A_111 : vector<16xf32>, vector<16xi1> -> vector<16xf32>
        %reduce_min3A_113 = vector.extract %reduce_min3A_112[15] : f32 from vector<16xf32>
        %iota3A_114 = tpu.iota {dimensions = array<i32: 0>} : vector<16xi32>
        %eq3A_115 = arith.constant 5 : i32
        %eq3A_116 = vector.broadcast %eq3A_115 : i32 to vector<16xi32>
        %eq3A_117 = arith.cmpi eq, %iota3A_114, %eq3A_116 : vector<16xi32>
        %jit3A_118 = arith.constant 0x7F800000 : f32
        %broadcast_in_dim3A_119 = vector.broadcast %jit3A_118 : f32 to vector<16xf32>
        %select_n3A_120 = arith.select %eq3A_117, %scan3A_101#0, %broadcast_in_dim3A_119 : vector<16xi1>, vector<16xf32>
        %reduce_min3A_121 = arith.constant true
        %reduce_min3A_122 = vector.broadcast %reduce_min3A_121 : i1 to vector<16xi1>
        %reduce_min3A_123 = tpu.scan <min>, %select_n3A_120 masked %reduce_min3A_122 : vector<16xf32>, vector<16xi1> -> vector<16xf32>
        %reduce_min3A_124 = vector.extract %reduce_min3A_123[15] : f32 from vector<16xf32>
        %add3A_125 = arith.addf %reduce_min3A_113, %reduce_min3A_124 : f32
        %mul3A_126 = arith.constant 5.000000e-01 : f32
        %mul3A_127 = arith.mulf %mul3A_126, %add3A_125 : f32
        %eq3A_128 = vector.broadcast %scan3A_56 : i32 to vector<16xi32>
        %eq3A_129 = arith.cmpi eq, %iota3A_21, %eq3A_128 : vector<16xi32>
        %broadcast_in_dim3A_130 = vector.broadcast %mul3A_127 : f32 to vector<16xf32>
        %select_n3A_131 = arith.select %eq3A_129, %broadcast_in_dim3A_130, %scan3A_57 : vector<16xi1>, vector<16xf32>
        scf.yield %select_n3A_131 : vector<16xf32>
      }
      %scan3A_51 = arith.constant 16 : i32
      %mul3A_52 = arith.constant 16 : i32
      %mul3A_53 = arith.muli %scan3A_31, %mul3A_52 : i32
      %swap3A = arith.index_cast %mul3A_53 : i32 to index
      %swap3A_54 = tpu.vector_load %arg33[%swap3A] {strides = array<i32>} : memref<128xf32, #tpu.memory_space<vmem>>, vector<16xf32>,
      tpu.vector_store %arg33[%swap3A], %scan3A_50 {strides = array<i32>} : memref<128xf32, #tpu.memory_space<vmem>>, vector<16xf32>,
      %scan3A_55 = arith.constant 0 : i32
      scf.yield %scan3A_55 : i32
    }
    %scan3A_28 = arith.constant 8 : i32
    %mul3A_29 = arith.constant 128 : i32
    %mul3A_30 = arith.muli %add3A, %mul3A_29 : i32
    "tpu.region"() ({
      %run_scoped3A = tpu.sem_alloc : memref<!tpu.dma_semaphore, #tpu.memory_space<semaphore_mem>>
      %dma_start3A = tpu.memref_slice %arg17[%mul3A_30] : memref<4096xf32, #tpu.memory_space<hbm>> -> memref<128xf32, #tpu.memory_space<hbm>>
      %dma_start3A_31 = tpu.memref_slice %arg17[%mul3A_30] : memref<4096xf32, #tpu.memory_space<hbm>> -> memref<128xf32, #tpu.memory_space<hbm>>
      tpu.enqueue_dma source(%arg33 : memref<128xf32, #tpu.memory_space<vmem>>) target(%dma_start3A_31 : memref<128xf32, #tpu.memory_space<hbm>>) target_semaphore(%run_scoped3A : memref<!tpu.dma_semaphore, #tpu.memory_space<semaphore_mem>>)
      %dma_wait3A = tpu.memref_slice %arg17[%mul3A_30] : memref<4096xf32, #tpu.memory_space<hbm>> -> memref<128xf32, #tpu.memory_space<hbm>>
      %dma_wait3A_32 = tpu.memref_slice %arg17[%mul3A_30] : memref<4096xf32, #tpu.memory_space<hbm>> -> memref<128xf32, #tpu.memory_space<hbm>>
      tpu.wait_dma2 semaphore(%run_scoped3A : memref<!tpu.dma_semaphore, #tpu.memory_space<semaphore_mem>>) src(%arg33 : memref<128xf32, #tpu.memory_space<vmem>>) dst(%dma_wait3A_32 : memref<128xf32, #tpu.memory_space<hbm>>)
      tpu.yield
    }) : () -> ()
    return
  }
}

module attributes {stable_mosaic.version = 14 : i64} {
  func.func @_curv2_body(%arg0: i32, %arg1: memref<4096x3xf32, #tpu.memory_space<vmem>>, %arg2: memref<4096x3xf32, #tpu.memory_space<vmem>>, %arg3: memref<3x512xf32, #tpu.memory_space<vmem>>, %arg4: memref<3x512xf32, #tpu.memory_space<vmem>>, %arg5: memref<1x512xf32, #tpu.memory_space<vmem>>, %arg6: memref<3x512xf32, #tpu.memory_space<vmem>>) attributes {dimension_semantics = [#tpu.dimension_semantics<arbitrary>], iteration_bounds = array<i64: 8>, scalar_prefetch = 0 : i64, scratch_operands = 0 : i64, tpu.core_type = #tpu.core_type<tc>, window_params = [{pipeline_mode = #tpu.pipeline_mode<synchronous>, transform_indices = @transform_0, window_bounds = array<i64: 4096, 3>}, {pipeline_mode = #tpu.pipeline_mode<synchronous>, transform_indices = @transform_1, window_bounds = array<i64: 4096, 3>}, {transform_indices = @transform_2, window_bounds = array<i64: 3, 512>}, {transform_indices = @transform_3, window_bounds = array<i64: 3, 512>}, {transform_indices = @transform_4, window_bounds = array<i64: 1, 512>}, {transform_indices = @transform_5, window_bounds = array<i64: 3, 512>}]} {
    %get3A = arith.constant 0 : index
    %get3A_0 = arith.constant 0 : index
    %get3A_1 = vector.load %arg1[%get3A, %get3A_0] : memref<4096x3xf32, #tpu.memory_space<vmem>>, vector<4096x3xf32>
    %get3A_2 = arith.constant 0 : index
    %get3A_3 = arith.constant 0 : index
    %get3A_4 = vector.load %arg2[%get3A_2, %get3A_3] : memref<4096x3xf32, #tpu.memory_space<vmem>>, vector<4096x3xf32>
    %add3A = arith.addf %get3A_1, %get3A_4 : vector<4096x3xf32>
    %get3A_5 = arith.constant 0 : index
    %get3A_6 = arith.constant 0 : index
    %get3A_7 = vector.load %arg3[%get3A_5, %get3A_6] : memref<3x512xf32, #tpu.memory_space<vmem>>, vector<3x512xf32>
    %get3A_8 = arith.constant 0 : index
    %get3A_9 = arith.constant 0 : index
    %get3A_10 = vector.load %arg4[%get3A_8, %get3A_9] : memref<3x512xf32, #tpu.memory_space<vmem>>, vector<3x512xf32>
    %add3A_11 = arith.addf %get3A_7, %get3A_10 : vector<3x512xf32>
    %dot_general3A = arith.constant dense<0.000000e+00> : vector<4096x512xf32>
    %dot_general3A_12 = tpu.matmul %add3A, %add3A_11, %dot_general3A {dimension_numbers = #tpu.dot_dimension_numbers<[1], [0], [0], [1], [0, 0, 1, 1], [], []>, transpose_lhs_hint = false} : vector<4096x3xf32>, vector<3x512xf32>, vector<4096x512xf32> -> vector<4096x512xf32>
    %slice3A = vector.extract_strided_slice %add3A {offsets = [0, 0], sizes = [4096, 1], strides = [1, 1]} : vector<4096x3xf32> to vector<4096x1xf32>
    %slice3A_13 = vector.extract_strided_slice %add3A {offsets = [0, 0], sizes = [4096, 1], strides = [1, 1]} : vector<4096x3xf32> to vector<4096x1xf32>
    %mul3A = arith.mulf %slice3A, %slice3A_13 : vector<4096x1xf32>
    %slice3A_14 = vector.extract_strided_slice %add3A {offsets = [0, 1], sizes = [4096, 1], strides = [1, 1]} : vector<4096x3xf32> to vector<4096x1xf32>
    %slice3A_15 = vector.extract_strided_slice %add3A {offsets = [0, 1], sizes = [4096, 1], strides = [1, 1]} : vector<4096x3xf32> to vector<4096x1xf32>
    %mul3A_16 = arith.mulf %slice3A_14, %slice3A_15 : vector<4096x1xf32>
    %add3A_17 = arith.addf %mul3A, %mul3A_16 : vector<4096x1xf32>
    %slice3A_18 = vector.extract_strided_slice %add3A {offsets = [0, 2], sizes = [4096, 1], strides = [1, 1]} : vector<4096x3xf32> to vector<4096x1xf32>
    %slice3A_19 = vector.extract_strided_slice %add3A {offsets = [0, 2], sizes = [4096, 1], strides = [1, 1]} : vector<4096x3xf32> to vector<4096x1xf32>
    %mul3A_20 = arith.mulf %slice3A_18, %slice3A_19 : vector<4096x1xf32>
    %add3A_21 = arith.addf %add3A_17, %mul3A_20 : vector<4096x1xf32>
    %slice3A_22 = vector.extract_strided_slice %add3A_11 {offsets = [0, 0], sizes = [1, 512], strides = [1, 1]} : vector<3x512xf32> to vector<1x512xf32>
    %slice3A_23 = vector.extract_strided_slice %add3A_11 {offsets = [0, 0], sizes = [1, 512], strides = [1, 1]} : vector<3x512xf32> to vector<1x512xf32>
    %mul3A_24 = arith.mulf %slice3A_22, %slice3A_23 : vector<1x512xf32>
    %slice3A_25 = vector.extract_strided_slice %add3A_11 {offsets = [1, 0], sizes = [1, 512], strides = [1, 1]} : vector<3x512xf32> to vector<1x512xf32>
    %slice3A_26 = vector.extract_strided_slice %add3A_11 {offsets = [1, 0], sizes = [1, 512], strides = [1, 1]} : vector<3x512xf32> to vector<1x512xf32>
    %mul3A_27 = arith.mulf %slice3A_25, %slice3A_26 : vector<1x512xf32>
    %add3A_28 = arith.addf %mul3A_24, %mul3A_27 : vector<1x512xf32>
    %slice3A_29 = vector.extract_strided_slice %add3A_11 {offsets = [2, 0], sizes = [1, 512], strides = [1, 1]} : vector<3x512xf32> to vector<1x512xf32>
    %slice3A_30 = vector.extract_strided_slice %add3A_11 {offsets = [2, 0], sizes = [1, 512], strides = [1, 1]} : vector<3x512xf32> to vector<1x512xf32>
    %mul3A_31 = arith.mulf %slice3A_29, %slice3A_30 : vector<1x512xf32>
    %add3A_32 = arith.addf %add3A_28, %mul3A_31 : vector<1x512xf32>
    %mul3A_33 = arith.constant -2.000000e+00 : f32
    %mul3A_34 = vector.broadcast %mul3A_33 : f32 to vector<4096x512xf32>
    %mul3A_35 = arith.mulf %mul3A_34, %dot_general3A_12 : vector<4096x512xf32>
    %add3A_36 = vector.broadcast %add3A_32 : vector<1x512xf32> to vector<4096x512xf32>
    %add3A_37 = arith.addf %mul3A_35, %add3A_36 : vector<4096x512xf32>
    %add3A_38 = vector.broadcast %add3A_21 : vector<4096x1xf32> to vector<4096x512xf32>
    %add3A_39 = arith.addf %add3A_37, %add3A_38 : vector<4096x512xf32>
    %get3A_40 = arith.constant 0 : index
    %get3A_41 = arith.constant 0 : index
    %get3A_42 = vector.load %arg5[%get3A_40, %get3A_41] : memref<1x512xf32, #tpu.memory_space<vmem>>, vector<1x512xf32>
    %le3A = vector.broadcast %get3A_42 : vector<1x512xf32> to vector<4096x512xf32>
    %le3A_43 = arith.cmpf ole, %add3A_39, %le3A : vector<4096x512xf32>
    %slice3A_44 = vector.extract_strided_slice %add3A {offsets = [0, 0], sizes = [4096, 1], strides = [1, 1]} : vector<4096x3xf32> to vector<4096x1xf32>
    %jit3A = arith.constant 0.000000e+00 : f32
    %broadcast_in_dim3A = vector.shape_cast %slice3A_44 : vector<4096x1xf32> to vector<4096x1xf32>
    %broadcast_in_dim3A_45 = vector.broadcast %broadcast_in_dim3A : vector<4096x1xf32> to vector<4096x512xf32>
    %broadcast_in_dim3A_46 = vector.broadcast %jit3A : f32 to vector<4096x512xf32>
    %select_n3A = arith.select %le3A_43, %broadcast_in_dim3A_45, %broadcast_in_dim3A_46 : vector<4096x512xi1>, vector<4096x512xf32>
    %reduce_sum3A = arith.constant dense<0.000000e+00> : vector<512xf32>
    %reduce_sum3A_47 = vector.multi_reduction <add>, %select_n3A, %reduce_sum3A [0] : vector<4096x512xf32> to vector<512xf32>
    %broadcast_in_dim3A_48 = vector.shape_cast %reduce_sum3A_47 : vector<512xf32> to vector<1x512xf32>
    %slice3A_49 = vector.extract_strided_slice %add3A_11 {offsets = [0, 0], sizes = [1, 512], strides = [1, 1]} : vector<3x512xf32> to vector<1x512xf32>
    %mul3A_50 = arith.constant 1.000000e+01 : f32
    %mul3A_51 = vector.broadcast %mul3A_50 : f32 to vector<1x512xf32>
    %mul3A_52 = arith.mulf %mul3A_51, %slice3A_49 : vector<1x512xf32>
    %sub3A = arith.subf %broadcast_in_dim3A_48, %mul3A_52 : vector<1x512xf32>
    %mul3A_53 = arith.constant 0.111111112 : f32
    %mul3A_54 = vector.broadcast %mul3A_53 : f32 to vector<1x512xf32>
    %mul3A_55 = arith.mulf %sub3A, %mul3A_54 : vector<1x512xf32>
    %swap3A = arith.constant 0 : index
    %swap3A_56 = arith.constant 0 : index
    %swap3A_57 = vector.load %arg6[%swap3A, %swap3A_56] : memref<3x512xf32, #tpu.memory_space<vmem>>, vector<1x512xf32>
    tpu.vector_store %arg6[%swap3A, %swap3A_56], %mul3A_55 {strides = array<i32>} : memref<3x512xf32, #tpu.memory_space<vmem>>, vector<1x512xf32>,
    %slice3A_58 = vector.extract_strided_slice %add3A {offsets = [0, 1], sizes = [4096, 1], strides = [1, 1]} : vector<4096x3xf32> to vector<4096x1xf32>
    %jit3A_59 = arith.constant 0.000000e+00 : f32
    %broadcast_in_dim3A_60 = vector.shape_cast %slice3A_58 : vector<4096x1xf32> to vector<4096x1xf32>
    %broadcast_in_dim3A_61 = vector.broadcast %broadcast_in_dim3A_60 : vector<4096x1xf32> to vector<4096x512xf32>
    %broadcast_in_dim3A_62 = vector.broadcast %jit3A_59 : f32 to vector<4096x512xf32>
    %select_n3A_63 = arith.select %le3A_43, %broadcast_in_dim3A_61, %broadcast_in_dim3A_62 : vector<4096x512xi1>, vector<4096x512xf32>
    %reduce_sum3A_64 = arith.constant dense<0.000000e+00> : vector<512xf32>
    %reduce_sum3A_65 = vector.multi_reduction <add>, %select_n3A_63, %reduce_sum3A_64 [0] : vector<4096x512xf32> to vector<512xf32>
    %broadcast_in_dim3A_66 = vector.shape_cast %reduce_sum3A_65 : vector<512xf32> to vector<1x512xf32>
    %slice3A_67 = vector.extract_strided_slice %add3A_11 {offsets = [1, 0], sizes = [1, 512], strides = [1, 1]} : vector<3x512xf32> to vector<1x512xf32>
    %mul3A_68 = arith.constant 1.000000e+01 : f32
    %mul3A_69 = vector.broadcast %mul3A_68 : f32 to vector<1x512xf32>
    %mul3A_70 = arith.mulf %mul3A_69, %slice3A_67 : vector<1x512xf32>
    %sub3A_71 = arith.subf %broadcast_in_dim3A_66, %mul3A_70 : vector<1x512xf32>
    %mul3A_72 = arith.constant 0.111111112 : f32
    %mul3A_73 = vector.broadcast %mul3A_72 : f32 to vector<1x512xf32>
    %mul3A_74 = arith.mulf %sub3A_71, %mul3A_73 : vector<1x512xf32>
    %swap3A_75 = arith.constant 1 : index
    %swap3A_76 = arith.constant 0 : index
    %swap3A_77 = vector.load %arg6[%swap3A_75, %swap3A_76] : memref<3x512xf32, #tpu.memory_space<vmem>>, vector<1x512xf32>
    tpu.vector_store %arg6[%swap3A_75, %swap3A_76], %mul3A_74 {strides = array<i32>} : memref<3x512xf32, #tpu.memory_space<vmem>>, vector<1x512xf32>,
    %slice3A_78 = vector.extract_strided_slice %add3A {offsets = [0, 2], sizes = [4096, 1], strides = [1, 1]} : vector<4096x3xf32> to vector<4096x1xf32>
    %jit3A_79 = arith.constant 0.000000e+00 : f32
    %broadcast_in_dim3A_80 = vector.shape_cast %slice3A_78 : vector<4096x1xf32> to vector<4096x1xf32>
    %broadcast_in_dim3A_81 = vector.broadcast %broadcast_in_dim3A_80 : vector<4096x1xf32> to vector<4096x512xf32>
    %broadcast_in_dim3A_82 = vector.broadcast %jit3A_79 : f32 to vector<4096x512xf32>
    %select_n3A_83 = arith.select %le3A_43, %broadcast_in_dim3A_81, %broadcast_in_dim3A_82 : vector<4096x512xi1>, vector<4096x512xf32>
    %reduce_sum3A_84 = arith.constant dense<0.000000e+00> : vector<512xf32>
    %reduce_sum3A_85 = vector.multi_reduction <add>, %select_n3A_83, %reduce_sum3A_84 [0] : vector<4096x512xf32> to vector<512xf32>
    %broadcast_in_dim3A_86 = vector.shape_cast %reduce_sum3A_85 : vector<512xf32> to vector<1x512xf32>
    %slice3A_87 = vector.extract_strided_slice %add3A_11 {offsets = [2, 0], sizes = [1, 512], strides = [1, 1]} : vector<3x512xf32> to vector<1x512xf32>
    %mul3A_88 = arith.constant 1.000000e+01 : f32
    %mul3A_89 = vector.broadcast %mul3A_88 : f32 to vector<1x512xf32>
    %mul3A_90 = arith.mulf %mul3A_89, %slice3A_87 : vector<1x512xf32>
    %sub3A_91 = arith.subf %broadcast_in_dim3A_86, %mul3A_90 : vector<1x512xf32>
    %mul3A_92 = arith.constant 0.111111112 : f32
    %mul3A_93 = vector.broadcast %mul3A_92 : f32 to vector<1x512xf32>
    %mul3A_94 = arith.mulf %sub3A_91, %mul3A_93 : vector<1x512xf32>
    %swap3A_95 = arith.constant 2 : index
    %swap3A_96 = arith.constant 0 : index
    %swap3A_97 = vector.load %arg6[%swap3A_95, %swap3A_96] : memref<3x512xf32, #tpu.memory_space<vmem>>, vector<1x512xf32>
    tpu.vector_store %arg6[%swap3A_95, %swap3A_96], %mul3A_94 {strides = array<i32>} : memref<3x512xf32, #tpu.memory_space<vmem>>, vector<1x512xf32>,
    return
  }
  func.func @transform_0(%arg0: i32) -> (i32, i32) {
    %c0_i32 = arith.constant 0 : i32
    %c0_i32_0 = arith.constant 0 : i32
    %c0_i32_1 = arith.constant 0 : i32
    return %c0_i32, %c0_i32_0 : i32, i32
  }
  func.func @transform_1(%arg0: i32) -> (i32, i32) {
    %c0_i32 = arith.constant 0 : i32
    %c0_i32_0 = arith.constant 0 : i32
    %c0_i32_1 = arith.constant 0 : i32
    return %c0_i32, %c0_i32_0 : i32, i32
  }
  func.func @transform_2(%arg0: i32) -> (i32, i32) {
    %c0_i32 = arith.constant 0 : i32
    %c0_i32_0 = arith.constant 0 : i32
    return %c0_i32, %arg0 : i32, i32
  }
  func.func @transform_3(%arg0: i32) -> (i32, i32) {
    %c0_i32 = arith.constant 0 : i32
    %c0_i32_0 = arith.constant 0 : i32
    return %c0_i32, %arg0 : i32, i32
  }
  func.func @transform_4(%arg0: i32) -> (i32, i32) {
    %c0_i32 = arith.constant 0 : i32
    %c0_i32_0 = arith.constant 0 : i32
    return %c0_i32, %arg0 : i32, i32
  }
  func.func @transform_5(%arg0: i32) -> (i32, i32) {
    %c0_i32 = arith.constant 0 : i32
    %c0_i32_0 = arith.constant 0 : i32
    return %c0_i32, %arg0 : i32, i32
  }
}

module attributes {stable_mosaic.version = 14 : i64} {
  func.func @_main_body(%arg0: i32, %arg1: memref<256x3xf32, #tpu.memory_space<vmem>>, %arg2: memref<256x3xf32, #tpu.memory_space<vmem>>, %arg3: memref<256x3xf32, #tpu.memory_space<vmem>>, %arg4: memref<256x1xf32, #tpu.memory_space<vmem>>, %arg5: memref<256x1xf32, #tpu.memory_space<vmem>>, %arg6: memref<256x1xf32, #tpu.memory_space<vmem>>, %arg7: memref<3x4096xf32, #tpu.memory_space<vmem>>, %arg8: memref<3x4096xf32, #tpu.memory_space<vmem>>, %arg9: memref<3x4096xf32, #tpu.memory_space<vmem>>, %arg10: memref<3x4096xf32, #tpu.memory_space<vmem>>, %arg11: memref<1x1xf32, #tpu.memory_space<vmem>>, %arg12: memref<1x4096xf32, #tpu.memory_space<vmem>>, %arg13: memref<4xf32, #tpu.memory_space<smem>>) attributes {dimension_semantics = [#tpu.dimension_semantics<arbitrary>], iteration_bounds = array<i64: 16>, scalar_prefetch = 0 : i64, scratch_operands = 2 : i64, tpu.core_type = #tpu.core_type<tc>, window_params = [{transform_indices = @transform_0, window_bounds = array<i64: 256, 3>}, {transform_indices = @transform_1, window_bounds = array<i64: 256, 3>}, {transform_indices = @transform_2, window_bounds = array<i64: 256, 3>}, {transform_indices = @transform_3, window_bounds = array<i64: 256, 1>}, {transform_indices = @transform_4, window_bounds = array<i64: 256, 1>}, {transform_indices = @transform_5, window_bounds = array<i64: 256, 1>}, {pipeline_mode = #tpu.pipeline_mode<synchronous>, transform_indices = @transform_6, window_bounds = array<i64: 3, 4096>}, {pipeline_mode = #tpu.pipeline_mode<synchronous>, transform_indices = @transform_7, window_bounds = array<i64: 3, 4096>}, {pipeline_mode = #tpu.pipeline_mode<synchronous>, transform_indices = @transform_8, window_bounds = array<i64: 3, 4096>}, {pipeline_mode = #tpu.pipeline_mode<synchronous>, transform_indices = @transform_9, window_bounds = array<i64: 3, 4096>}, {pipeline_mode = #tpu.pipeline_mode<synchronous>, transform_indices = @transform_10, window_bounds = array<i64: 1, 1>}]} {
    %eq3A = arith.constant 0 : i32
    %eq3A_0 = arith.cmpi eq, %arg0, %eq3A : i32
    %convert_element_type3A = arith.extui %eq3A_0 : i1 to i32
    %cond3A = arith.constant 0 : i32
    %cond3A_1 = arith.cmpi ne, %convert_element_type3A, %cond3A : i32
    scf.if %cond3A_1 {
      %swap3A_264 = arith.constant 0.000000e+00 : f32
      %swap3A_265 = arith.constant 0 : index
      %swap3A_266 = memref.load %arg13[%swap3A_265] : memref<4xf32, #tpu.memory_space<smem>>
      memref.store %swap3A_264, %arg13[%swap3A_265] : memref<4xf32, #tpu.memory_space<smem>>
      %swap3A_267 = arith.constant 0.000000e+00 : f32
      %swap3A_268 = arith.constant 1 : index
      %swap3A_269 = memref.load %arg13[%swap3A_268] : memref<4xf32, #tpu.memory_space<smem>>
      memref.store %swap3A_267, %arg13[%swap3A_268] : memref<4xf32, #tpu.memory_space<smem>>
      %swap3A_270 = arith.constant 0.000000e+00 : f32
      %swap3A_271 = arith.constant 2 : index
      %swap3A_272 = memref.load %arg13[%swap3A_271] : memref<4xf32, #tpu.memory_space<smem>>
      memref.store %swap3A_270, %arg13[%swap3A_271] : memref<4xf32, #tpu.memory_space<smem>>
      %broadcast_in_dim3A_273 = arith.constant 0x7F800000 : f32
      %broadcast_in_dim3A_274 = vector.broadcast %broadcast_in_dim3A_273 : f32 to vector<1x4096xf32>
      %swap3A_275 = arith.constant 0 : index
      %swap3A_276 = arith.constant 0 : index
      %swap3A_277 = vector.load %arg12[%swap3A_275, %swap3A_276] : memref<1x4096xf32, #tpu.memory_space<vmem>>, vector<1x4096xf32>
      tpu.vector_store %arg12[%swap3A_275, %swap3A_276], %broadcast_in_dim3A_274 {strides = array<i32>} : memref<1x4096xf32, #tpu.memory_space<vmem>>, vector<1x4096xf32>,
    } else {
    }
    %get3A = arith.constant 0 : index
    %get3A_2 = arith.constant 0 : index
    %get3A_3 = vector.load %arg1[%get3A, %get3A_2] : memref<256x3xf32, #tpu.memory_space<vmem>>, vector<256x3xf32>
    %get3A_4 = arith.constant 0 : index
    %get3A_5 = arith.constant 0 : index
    %get3A_6 = vector.load %arg3[%get3A_4, %get3A_5] : memref<256x3xf32, #tpu.memory_space<vmem>>, vector<256x3xf32>
    %add3A = arith.addf %get3A_3, %get3A_6 : vector<256x3xf32>
    %get3A_7 = arith.constant 0 : index
    %get3A_8 = arith.constant 0 : index
    %get3A_9 = vector.load %arg7[%get3A_7, %get3A_8] : memref<3x4096xf32, #tpu.memory_space<vmem>>, vector<3x4096xf32>
    %get3A_10 = arith.constant 0 : index
    %get3A_11 = arith.constant 0 : index
    %get3A_12 = vector.load %arg8[%get3A_10, %get3A_11] : memref<3x4096xf32, #tpu.memory_space<vmem>>, vector<3x4096xf32>
    %get3A_13 = arith.constant 0 : index
    %get3A_14 = arith.constant 0 : index
    %get3A_15 = vector.load %arg9[%get3A_13, %get3A_14] : memref<3x4096xf32, #tpu.memory_space<vmem>>, vector<3x4096xf32>
    %add3A_16 = arith.addf %get3A_9, %get3A_12 : vector<3x4096xf32>
    %add3A_17 = arith.addf %get3A_9, %get3A_15 : vector<3x4096xf32>
    %slice3A = vector.extract_strided_slice %get3A_6 {offsets = [0, 0], sizes = [256, 1], strides = [1, 1]} : vector<256x3xf32> to vector<256x1xf32>
    %slice3A_18 = vector.extract_strided_slice %get3A_6 {offsets = [0, 1], sizes = [256, 1], strides = [1, 1]} : vector<256x3xf32> to vector<256x1xf32>
    %slice3A_19 = vector.extract_strided_slice %get3A_6 {offsets = [0, 2], sizes = [256, 1], strides = [1, 1]} : vector<256x3xf32> to vector<256x1xf32>
    %slice3A_20 = vector.extract_strided_slice %add3A {offsets = [0, 0], sizes = [256, 1], strides = [1, 1]} : vector<256x3xf32> to vector<256x1xf32>
    %slice3A_21 = vector.extract_strided_slice %add3A {offsets = [0, 1], sizes = [256, 1], strides = [1, 1]} : vector<256x3xf32> to vector<256x1xf32>
    %slice3A_22 = vector.extract_strided_slice %add3A {offsets = [0, 2], sizes = [256, 1], strides = [1, 1]} : vector<256x3xf32> to vector<256x1xf32>
    %slice3A_23 = vector.extract_strided_slice %get3A_15 {offsets = [0, 0], sizes = [1, 4096], strides = [1, 1]} : vector<3x4096xf32> to vector<1x4096xf32>
    %slice3A_24 = vector.extract_strided_slice %get3A_15 {offsets = [1, 0], sizes = [1, 4096], strides = [1, 1]} : vector<3x4096xf32> to vector<1x4096xf32>
    %slice3A_25 = vector.extract_strided_slice %get3A_15 {offsets = [2, 0], sizes = [1, 4096], strides = [1, 1]} : vector<3x4096xf32> to vector<1x4096xf32>
    %slice3A_26 = vector.extract_strided_slice %add3A_17 {offsets = [0, 0], sizes = [1, 4096], strides = [1, 1]} : vector<3x4096xf32> to vector<1x4096xf32>
    %slice3A_27 = vector.extract_strided_slice %add3A_17 {offsets = [1, 0], sizes = [1, 4096], strides = [1, 1]} : vector<3x4096xf32> to vector<1x4096xf32>
    %slice3A_28 = vector.extract_strided_slice %add3A_17 {offsets = [2, 0], sizes = [1, 4096], strides = [1, 1]} : vector<3x4096xf32> to vector<1x4096xf32>
    %get3A_29 = arith.constant 0 : index
    %get3A_30 = arith.constant 0 : index
    %get3A_31 = vector.load %arg10[%get3A_29, %get3A_30] : memref<3x4096xf32, #tpu.memory_space<vmem>>, vector<1x4096xf32>
    %get3A_32 = arith.constant 1 : index
    %get3A_33 = arith.constant 0 : index
    %get3A_34 = vector.load %arg10[%get3A_32, %get3A_33] : memref<3x4096xf32, #tpu.memory_space<vmem>>, vector<1x4096xf32>
    %get3A_35 = arith.constant 2 : index
    %get3A_36 = arith.constant 0 : index
    %get3A_37 = vector.load %arg10[%get3A_35, %get3A_36] : memref<3x4096xf32, #tpu.memory_space<vmem>>, vector<1x4096xf32>
    %dot_general3A = arith.constant dense<0.000000e+00> : vector<256x4096xf32>
    %dot_general3A_38 = tpu.matmul %get3A_3, %get3A_9, %dot_general3A {dimension_numbers = #tpu.dot_dimension_numbers<[1], [0], [0], [1], [0, 0, 1, 1], [], []>, transpose_lhs_hint = false} : vector<256x3xf32>, vector<3x4096xf32>, vector<256x4096xf32> -> vector<256x4096xf32>
    %slice3A_39 = vector.extract_strided_slice %get3A_3 {offsets = [0, 0], sizes = [256, 1], strides = [1, 1]} : vector<256x3xf32> to vector<256x1xf32>
    %slice3A_40 = vector.extract_strided_slice %get3A_3 {offsets = [0, 0], sizes = [256, 1], strides = [1, 1]} : vector<256x3xf32> to vector<256x1xf32>
    %mul3A = arith.mulf %slice3A_39, %slice3A_40 : vector<256x1xf32>
    %slice3A_41 = vector.extract_strided_slice %get3A_3 {offsets = [0, 1], sizes = [256, 1], strides = [1, 1]} : vector<256x3xf32> to vector<256x1xf32>
    %slice3A_42 = vector.extract_strided_slice %get3A_3 {offsets = [0, 1], sizes = [256, 1], strides = [1, 1]} : vector<256x3xf32> to vector<256x1xf32>
    %mul3A_43 = arith.mulf %slice3A_41, %slice3A_42 : vector<256x1xf32>
    %add3A_44 = arith.addf %mul3A, %mul3A_43 : vector<256x1xf32>
    %slice3A_45 = vector.extract_strided_slice %get3A_3 {offsets = [0, 2], sizes = [256, 1], strides = [1, 1]} : vector<256x3xf32> to vector<256x1xf32>
    %slice3A_46 = vector.extract_strided_slice %get3A_3 {offsets = [0, 2], sizes = [256, 1], strides = [1, 1]} : vector<256x3xf32> to vector<256x1xf32>
    %mul3A_47 = arith.mulf %slice3A_45, %slice3A_46 : vector<256x1xf32>
    %add3A_48 = arith.addf %add3A_44, %mul3A_47 : vector<256x1xf32>
    %slice3A_49 = vector.extract_strided_slice %get3A_9 {offsets = [0, 0], sizes = [1, 4096], strides = [1, 1]} : vector<3x4096xf32> to vector<1x4096xf32>
    %slice3A_50 = vector.extract_strided_slice %get3A_9 {offsets = [0, 0], sizes = [1, 4096], strides = [1, 1]} : vector<3x4096xf32> to vector<1x4096xf32>
    %mul3A_51 = arith.mulf %slice3A_49, %slice3A_50 : vector<1x4096xf32>
    %slice3A_52 = vector.extract_strided_slice %get3A_9 {offsets = [1, 0], sizes = [1, 4096], strides = [1, 1]} : vector<3x4096xf32> to vector<1x4096xf32>
    %slice3A_53 = vector.extract_strided_slice %get3A_9 {offsets = [1, 0], sizes = [1, 4096], strides = [1, 1]} : vector<3x4096xf32> to vector<1x4096xf32>
    %mul3A_54 = arith.mulf %slice3A_52, %slice3A_53 : vector<1x4096xf32>
    %add3A_55 = arith.addf %mul3A_51, %mul3A_54 : vector<1x4096xf32>
    %slice3A_56 = vector.extract_strided_slice %get3A_9 {offsets = [2, 0], sizes = [1, 4096], strides = [1, 1]} : vector<3x4096xf32> to vector<1x4096xf32>
    %slice3A_57 = vector.extract_strided_slice %get3A_9 {offsets = [2, 0], sizes = [1, 4096], strides = [1, 1]} : vector<3x4096xf32> to vector<1x4096xf32>
    %mul3A_58 = arith.mulf %slice3A_56, %slice3A_57 : vector<1x4096xf32>
    %add3A_59 = arith.addf %add3A_55, %mul3A_58 : vector<1x4096xf32>
    %mul3A_60 = arith.constant -2.000000e+00 : f32
    %mul3A_61 = vector.broadcast %mul3A_60 : f32 to vector<256x4096xf32>
    %mul3A_62 = arith.mulf %mul3A_61, %dot_general3A_38 : vector<256x4096xf32>
    %add3A_63 = vector.broadcast %add3A_48 : vector<256x1xf32> to vector<256x4096xf32>
    %add3A_64 = arith.addf %mul3A_62, %add3A_63 : vector<256x4096xf32>
    %add3A_65 = vector.broadcast %add3A_59 : vector<1x4096xf32> to vector<256x4096xf32>
    %add3A_66 = arith.addf %add3A_64, %add3A_65 : vector<256x4096xf32>
    %get3A_67 = arith.constant 0 : index
    %get3A_68 = arith.constant 0 : index
    %get3A_69 = vector.load %arg4[%get3A_67, %get3A_68] : memref<256x1xf32, #tpu.memory_space<vmem>>, vector<256x1xf32>
    %le3A = vector.broadcast %get3A_69 : vector<256x1xf32> to vector<256x4096xf32>
    %le3A_70 = arith.cmpf ole, %add3A_66, %le3A : vector<256x4096xf32>
    %get3A_71 = arith.constant 0 : index
    %get3A_72 = arith.constant 0 : index
    %get3A_73 = vector.load %arg5[%get3A_71, %get3A_72] : memref<256x1xf32, #tpu.memory_space<vmem>>, vector<256x1xf32>
    %le3A_74 = vector.broadcast %get3A_73 : vector<256x1xf32> to vector<256x4096xf32>
    %le3A_75 = arith.cmpf ole, %add3A_66, %le3A_74 : vector<256x4096xf32>
    %jit3A = arith.constant 0.000000e+00 : f32
    %broadcast_in_dim3A = vector.shape_cast %slice3A_26 : vector<1x4096xf32> to vector<1x4096xf32>
    %broadcast_in_dim3A_76 = vector.broadcast %broadcast_in_dim3A : vector<1x4096xf32> to vector<256x4096xf32>
    %broadcast_in_dim3A_77 = vector.broadcast %jit3A : f32 to vector<256x4096xf32>
    %select_n3A = arith.select %le3A_70, %broadcast_in_dim3A_76, %broadcast_in_dim3A_77 : vector<256x4096xi1>, vector<256x4096xf32>
    %reduce_sum3A = arith.constant dense<0.000000e+00> : vector<256xf32>
    %reduce_sum3A_78 = vector.multi_reduction <add>, %select_n3A, %reduce_sum3A [1] : vector<256x4096xf32> to vector<256xf32>
    %broadcast_in_dim3A_79 = vector.shape_cast %reduce_sum3A_78 : vector<256xf32> to vector<256x1xf32>
    %mul3A_80 = arith.constant 1.000000e+01 : f32
    %mul3A_81 = vector.broadcast %mul3A_80 : f32 to vector<256x1xf32>
    %mul3A_82 = arith.mulf %mul3A_81, %slice3A_20 : vector<256x1xf32>
    %sub3A = arith.subf %broadcast_in_dim3A_79, %mul3A_82 : vector<256x1xf32>
    %mul3A_83 = arith.constant 0.111111112 : f32
    %mul3A_84 = vector.broadcast %mul3A_83 : f32 to vector<256x1xf32>
    %mul3A_85 = arith.mulf %sub3A, %mul3A_84 : vector<256x1xf32>
    %jit3A_86 = arith.constant 0.000000e+00 : f32
    %broadcast_in_dim3A_87 = vector.shape_cast %slice3A_27 : vector<1x4096xf32> to vector<1x4096xf32>
    %broadcast_in_dim3A_88 = vector.broadcast %broadcast_in_dim3A_87 : vector<1x4096xf32> to vector<256x4096xf32>
    %broadcast_in_dim3A_89 = vector.broadcast %jit3A_86 : f32 to vector<256x4096xf32>
    %select_n3A_90 = arith.select %le3A_70, %broadcast_in_dim3A_88, %broadcast_in_dim3A_89 : vector<256x4096xi1>, vector<256x4096xf32>
    %reduce_sum3A_91 = arith.constant dense<0.000000e+00> : vector<256xf32>
    %reduce_sum3A_92 = vector.multi_reduction <add>, %select_n3A_90, %reduce_sum3A_91 [1] : vector<256x4096xf32> to vector<256xf32>
    %broadcast_in_dim3A_93 = vector.shape_cast %reduce_sum3A_92 : vector<256xf32> to vector<256x1xf32>
    %mul3A_94 = arith.constant 1.000000e+01 : f32
    %mul3A_95 = vector.broadcast %mul3A_94 : f32 to vector<256x1xf32>
    %mul3A_96 = arith.mulf %mul3A_95, %slice3A_21 : vector<256x1xf32>
    %sub3A_97 = arith.subf %broadcast_in_dim3A_93, %mul3A_96 : vector<256x1xf32>
    %mul3A_98 = arith.constant 0.111111112 : f32
    %mul3A_99 = vector.broadcast %mul3A_98 : f32 to vector<256x1xf32>
    %mul3A_100 = arith.mulf %sub3A_97, %mul3A_99 : vector<256x1xf32>
    %jit3A_101 = arith.constant 0.000000e+00 : f32
    %broadcast_in_dim3A_102 = vector.shape_cast %slice3A_28 : vector<1x4096xf32> to vector<1x4096xf32>
    %broadcast_in_dim3A_103 = vector.broadcast %broadcast_in_dim3A_102 : vector<1x4096xf32> to vector<256x4096xf32>
    %broadcast_in_dim3A_104 = vector.broadcast %jit3A_101 : f32 to vector<256x4096xf32>
    %select_n3A_105 = arith.select %le3A_70, %broadcast_in_dim3A_103, %broadcast_in_dim3A_104 : vector<256x4096xi1>, vector<256x4096xf32>
    %reduce_sum3A_106 = arith.constant dense<0.000000e+00> : vector<256xf32>
    %reduce_sum3A_107 = vector.multi_reduction <add>, %select_n3A_105, %reduce_sum3A_106 [1] : vector<256x4096xf32> to vector<256xf32>
    %broadcast_in_dim3A_108 = vector.shape_cast %reduce_sum3A_107 : vector<256xf32> to vector<256x1xf32>
    %mul3A_109 = arith.constant 1.000000e+01 : f32
    %mul3A_110 = vector.broadcast %mul3A_109 : f32 to vector<256x1xf32>
    %mul3A_111 = arith.mulf %mul3A_110, %slice3A_22 : vector<256x1xf32>
    %sub3A_112 = arith.subf %broadcast_in_dim3A_108, %mul3A_111 : vector<256x1xf32>
    %mul3A_113 = arith.constant 0.111111112 : f32
    %mul3A_114 = vector.broadcast %mul3A_113 : f32 to vector<256x1xf32>
    %mul3A_115 = arith.mulf %sub3A_112, %mul3A_114 : vector<256x1xf32>
    %sub3A_116 = vector.broadcast %slice3A_23 : vector<1x4096xf32> to vector<256x4096xf32>
    %sub3A_117 = vector.broadcast %slice3A : vector<256x1xf32> to vector<256x4096xf32>
    %sub3A_118 = arith.subf %sub3A_116, %sub3A_117 : vector<256x4096xf32>
    %integer_pow3A = arith.mulf %sub3A_118, %sub3A_118 : vector<256x4096xf32>
    %sub3A_119 = vector.broadcast %slice3A_24 : vector<1x4096xf32> to vector<256x4096xf32>
    %sub3A_120 = vector.broadcast %slice3A_18 : vector<256x1xf32> to vector<256x4096xf32>
    %sub3A_121 = arith.subf %sub3A_119, %sub3A_120 : vector<256x4096xf32>
    %integer_pow3A_122 = arith.mulf %sub3A_121, %sub3A_121 : vector<256x4096xf32>
    %add3A_123 = arith.addf %integer_pow3A, %integer_pow3A_122 : vector<256x4096xf32>
    %sub3A_124 = vector.broadcast %slice3A_25 : vector<1x4096xf32> to vector<256x4096xf32>
    %sub3A_125 = vector.broadcast %slice3A_19 : vector<256x1xf32> to vector<256x4096xf32>
    %sub3A_126 = arith.subf %sub3A_124, %sub3A_125 : vector<256x4096xf32>
    %integer_pow3A_127 = arith.mulf %sub3A_126, %sub3A_126 : vector<256x4096xf32>
    %add3A_128 = arith.addf %add3A_123, %integer_pow3A_127 : vector<256x4096xf32>
    %sqrt3A = math.sqrt %add3A_128 : vector<256x4096xf32>
    %jit3A_129 = arith.constant 0.000000e+00 : f32
    %broadcast_in_dim3A_130 = vector.broadcast %jit3A_129 : f32 to vector<256x4096xf32>
    %select_n3A_131 = arith.select %le3A_75, %sqrt3A, %broadcast_in_dim3A_130 : vector<256x4096xi1>, vector<256x4096xf32>
    %reduce_sum3A_132 = vector.shape_cast %select_n3A_131 : vector<256x4096xf32> to vector<1x256x4096xf32>
    %reduce_sum3A_133 = arith.constant dense<0.000000e+00> : vector<1xf32>
    %reduce_sum3A_134 = vector.multi_reduction <add>, %reduce_sum3A_132, %reduce_sum3A_133 [1, 2] : vector<1x256x4096xf32> to vector<1xf32>
    %reduce_sum3A_135 = vector.shape_cast %reduce_sum3A_134 : vector<1xf32> to vector<1x1x1xf32>
    %reduce_sum3A_136 = vector.extract %reduce_sum3A_135[0, 0, 0] : f32 from vector<1x1x1xf32>
    %mul3A_137 = arith.constant 1.250000e-01 : f32
    %mul3A_138 = arith.mulf %reduce_sum3A_136, %mul3A_137 : f32
    %dot_general3A_139 = arith.constant dense<0.000000e+00> : vector<256x4096xf32>
    %dot_general3A_140 = tpu.matmul %add3A, %add3A_16, %dot_general3A_139 {dimension_numbers = #tpu.dot_dimension_numbers<[1], [0], [0], [1], [0, 0, 1, 1], [], []>, transpose_lhs_hint = false} : vector<256x3xf32>, vector<3x4096xf32>, vector<256x4096xf32> -> vector<256x4096xf32>
    %slice3A_141 = vector.extract_strided_slice %add3A {offsets = [0, 0], sizes = [256, 1], strides = [1, 1]} : vector<256x3xf32> to vector<256x1xf32>
    %slice3A_142 = vector.extract_strided_slice %add3A {offsets = [0, 0], sizes = [256, 1], strides = [1, 1]} : vector<256x3xf32> to vector<256x1xf32>
    %mul3A_143 = arith.mulf %slice3A_141, %slice3A_142 : vector<256x1xf32>
    %slice3A_144 = vector.extract_strided_slice %add3A {offsets = [0, 1], sizes = [256, 1], strides = [1, 1]} : vector<256x3xf32> to vector<256x1xf32>
    %slice3A_145 = vector.extract_strided_slice %add3A {offsets = [0, 1], sizes = [256, 1], strides = [1, 1]} : vector<256x3xf32> to vector<256x1xf32>
    %mul3A_146 = arith.mulf %slice3A_144, %slice3A_145 : vector<256x1xf32>
    %add3A_147 = arith.addf %mul3A_143, %mul3A_146 : vector<256x1xf32>
    %slice3A_148 = vector.extract_strided_slice %add3A {offsets = [0, 2], sizes = [256, 1], strides = [1, 1]} : vector<256x3xf32> to vector<256x1xf32>
    %slice3A_149 = vector.extract_strided_slice %add3A {offsets = [0, 2], sizes = [256, 1], strides = [1, 1]} : vector<256x3xf32> to vector<256x1xf32>
    %mul3A_150 = arith.mulf %slice3A_148, %slice3A_149 : vector<256x1xf32>
    %add3A_151 = arith.addf %add3A_147, %mul3A_150 : vector<256x1xf32>
    %slice3A_152 = vector.extract_strided_slice %add3A_16 {offsets = [0, 0], sizes = [1, 4096], strides = [1, 1]} : vector<3x4096xf32> to vector<1x4096xf32>
    %slice3A_153 = vector.extract_strided_slice %add3A_16 {offsets = [0, 0], sizes = [1, 4096], strides = [1, 1]} : vector<3x4096xf32> to vector<1x4096xf32>
    %mul3A_154 = arith.mulf %slice3A_152, %slice3A_153 : vector<1x4096xf32>
    %slice3A_155 = vector.extract_strided_slice %add3A_16 {offsets = [1, 0], sizes = [1, 4096], strides = [1, 1]} : vector<3x4096xf32> to vector<1x4096xf32>
    %slice3A_156 = vector.extract_strided_slice %add3A_16 {offsets = [1, 0], sizes = [1, 4096], strides = [1, 1]} : vector<3x4096xf32> to vector<1x4096xf32>
    %mul3A_157 = arith.mulf %slice3A_155, %slice3A_156 : vector<1x4096xf32>
    %add3A_158 = arith.addf %mul3A_154, %mul3A_157 : vector<1x4096xf32>
    %slice3A_159 = vector.extract_strided_slice %add3A_16 {offsets = [2, 0], sizes = [1, 4096], strides = [1, 1]} : vector<3x4096xf32> to vector<1x4096xf32>
    %slice3A_160 = vector.extract_strided_slice %add3A_16 {offsets = [2, 0], sizes = [1, 4096], strides = [1, 1]} : vector<3x4096xf32> to vector<1x4096xf32>
    %mul3A_161 = arith.mulf %slice3A_159, %slice3A_160 : vector<1x4096xf32>
    %add3A_162 = arith.addf %add3A_158, %mul3A_161 : vector<1x4096xf32>
    %mul3A_163 = arith.constant -2.000000e+00 : f32
    %mul3A_164 = vector.broadcast %mul3A_163 : f32 to vector<256x4096xf32>
    %mul3A_165 = arith.mulf %mul3A_164, %dot_general3A_140 : vector<256x4096xf32>
    %add3A_166 = vector.broadcast %add3A_151 : vector<256x1xf32> to vector<256x4096xf32>
    %add3A_167 = arith.addf %mul3A_165, %add3A_166 : vector<256x4096xf32>
    %add3A_168 = vector.broadcast %add3A_162 : vector<1x4096xf32> to vector<256x4096xf32>
    %add3A_169 = arith.addf %add3A_167, %add3A_168 : vector<256x4096xf32>
    %reduce_min3A = arith.constant dense<0x7F800000> : vector<256xf32>
    %reduce_min3A_170 = vector.multi_reduction <minimumf>, %add3A_169, %reduce_min3A [1] : vector<256x4096xf32> to vector<256xf32>
    %broadcast_in_dim3A_171 = vector.shape_cast %reduce_min3A_170 : vector<256xf32> to vector<256x1xf32>
    %reduce_sum3A_172 = vector.shape_cast %broadcast_in_dim3A_171 : vector<256x1xf32> to vector<1x256x1xf32>
    %reduce_sum3A_173 = arith.constant dense<0.000000e+00> : vector<1xf32>
    %reduce_sum3A_174 = vector.multi_reduction <add>, %reduce_sum3A_172, %reduce_sum3A_173 [1, 2] : vector<1x256x1xf32> to vector<1xf32>
    %reduce_sum3A_175 = vector.shape_cast %reduce_sum3A_174 : vector<1xf32> to vector<1x1x1xf32>
    %reduce_sum3A_176 = vector.extract %reduce_sum3A_175[0, 0, 0] : f32 from vector<1x1x1xf32>
    %get3A_177 = arith.constant 0 : index
    %get3A_178 = arith.constant 0 : index
    %get3A_179 = vector.load %arg12[%get3A_177, %get3A_178] : memref<1x4096xf32, #tpu.memory_space<vmem>>, vector<1x4096xf32>
    %reduce_min3A_180 = arith.constant dense<0x7F800000> : vector<4096xf32>
    %reduce_min3A_181 = vector.multi_reduction <minimumf>, %add3A_169, %reduce_min3A_180 [0] : vector<256x4096xf32> to vector<4096xf32>
    %broadcast_in_dim3A_182 = vector.shape_cast %reduce_min3A_181 : vector<4096xf32> to vector<1x4096xf32>
    %min3A = arith.minimumf %get3A_179, %broadcast_in_dim3A_182 : vector<1x4096xf32>
    %swap3A = arith.constant 0 : index
    %swap3A_183 = arith.constant 0 : index
    %swap3A_184 = vector.load %arg12[%swap3A, %swap3A_183] : memref<1x4096xf32, #tpu.memory_space<vmem>>, vector<1x4096xf32>
    tpu.vector_store %arg12[%swap3A, %swap3A_183], %min3A {strides = array<i32>} : memref<1x4096xf32, #tpu.memory_space<vmem>>, vector<1x4096xf32>,
    %get3A_185 = arith.constant 0 : index
    %get3A_186 = arith.constant 0 : index
    %get3A_187 = vector.load %arg6[%get3A_185, %get3A_186] : memref<256x1xf32, #tpu.memory_space<vmem>>, vector<256x1xf32>
    %le3A_188 = vector.broadcast %get3A_187 : vector<256x1xf32> to vector<256x4096xf32>
    %le3A_189 = arith.cmpf ole, %add3A_169, %le3A_188 : vector<256x4096xf32>
    %add3A_190 = arith.constant 9.99999993E-9 : f32
    %add3A_191 = vector.broadcast %add3A_190 : f32 to vector<256x4096xf32>
    %add3A_192 = arith.addf %add3A_169, %add3A_191 : vector<256x4096xf32>
    %div3A = arith.constant 1.000000e+00 : f32
    %div3A_193 = vector.broadcast %div3A : f32 to vector<256x4096xf32>
    %div3A_194 = arith.divf %div3A_193, %add3A_192 : vector<256x4096xf32>
    %jit3A_195 = arith.constant 0.000000e+00 : f32
    %broadcast_in_dim3A_196 = vector.broadcast %jit3A_195 : f32 to vector<256x4096xf32>
    %select_n3A_197 = arith.select %le3A_189, %div3A_194, %broadcast_in_dim3A_196 : vector<256x4096xi1>, vector<256x4096xf32>
    %reduce_sum3A_198 = arith.constant dense<0.000000e+00> : vector<256xf32>
    %reduce_sum3A_199 = vector.multi_reduction <add>, %select_n3A_197, %reduce_sum3A_198 [1] : vector<256x4096xf32> to vector<256xf32>
    %broadcast_in_dim3A_200 = vector.shape_cast %reduce_sum3A_199 : vector<256xf32> to vector<256x1xf32>
    %mul3A_201 = vector.broadcast %get3A_31 : vector<1x4096xf32> to vector<256x4096xf32>
    %mul3A_202 = arith.mulf %select_n3A_197, %mul3A_201 : vector<256x4096xf32>
    %reduce_sum3A_203 = arith.constant dense<0.000000e+00> : vector<256xf32>
    %reduce_sum3A_204 = vector.multi_reduction <add>, %mul3A_202, %reduce_sum3A_203 [1] : vector<256x4096xf32> to vector<256xf32>
    %broadcast_in_dim3A_205 = vector.shape_cast %reduce_sum3A_204 : vector<256xf32> to vector<256x1xf32>
    %div3A_206 = arith.divf %broadcast_in_dim3A_205, %broadcast_in_dim3A_200 : vector<256x1xf32>
    %sub3A_207 = arith.subf %div3A_206, %mul3A_85 : vector<256x1xf32>
    %integer_pow3A_208 = arith.mulf %sub3A_207, %sub3A_207 : vector<256x1xf32>
    %reduce_sum3A_209 = vector.shape_cast %integer_pow3A_208 : vector<256x1xf32> to vector<1x256x1xf32>
    %reduce_sum3A_210 = arith.constant dense<0.000000e+00> : vector<1xf32>
    %reduce_sum3A_211 = vector.multi_reduction <add>, %reduce_sum3A_209, %reduce_sum3A_210 [1, 2] : vector<1x256x1xf32> to vector<1xf32>
    %reduce_sum3A_212 = vector.shape_cast %reduce_sum3A_211 : vector<1xf32> to vector<1x1x1xf32>
    %reduce_sum3A_213 = vector.extract %reduce_sum3A_212[0, 0, 0] : f32 from vector<1x1x1xf32>
    %add3A_214 = arith.constant 0.000000e+00 : f32
    %add3A_215 = arith.addf %add3A_214, %reduce_sum3A_213 : f32
    %mul3A_216 = vector.broadcast %get3A_34 : vector<1x4096xf32> to vector<256x4096xf32>
    %mul3A_217 = arith.mulf %select_n3A_197, %mul3A_216 : vector<256x4096xf32>
    %reduce_sum3A_218 = arith.constant dense<0.000000e+00> : vector<256xf32>
    %reduce_sum3A_219 = vector.multi_reduction <add>, %mul3A_217, %reduce_sum3A_218 [1] : vector<256x4096xf32> to vector<256xf32>
    %broadcast_in_dim3A_220 = vector.shape_cast %reduce_sum3A_219 : vector<256xf32> to vector<256x1xf32>
    %div3A_221 = arith.divf %broadcast_in_dim3A_220, %broadcast_in_dim3A_200 : vector<256x1xf32>
    %sub3A_222 = arith.subf %div3A_221, %mul3A_100 : vector<256x1xf32>
    %integer_pow3A_223 = arith.mulf %sub3A_222, %sub3A_222 : vector<256x1xf32>
    %reduce_sum3A_224 = vector.shape_cast %integer_pow3A_223 : vector<256x1xf32> to vector<1x256x1xf32>
    %reduce_sum3A_225 = arith.constant dense<0.000000e+00> : vector<1xf32>
    %reduce_sum3A_226 = vector.multi_reduction <add>, %reduce_sum3A_224, %reduce_sum3A_225 [1, 2] : vector<1x256x1xf32> to vector<1xf32>
    %reduce_sum3A_227 = vector.shape_cast %reduce_sum3A_226 : vector<1xf32> to vector<1x1x1xf32>
    %reduce_sum3A_228 = vector.extract %reduce_sum3A_227[0, 0, 0] : f32 from vector<1x1x1xf32>
    %add3A_229 = arith.addf %add3A_215, %reduce_sum3A_228 : f32
    %mul3A_230 = vector.broadcast %get3A_37 : vector<1x4096xf32> to vector<256x4096xf32>
    %mul3A_231 = arith.mulf %select_n3A_197, %mul3A_230 : vector<256x4096xf32>
    %reduce_sum3A_232 = arith.constant dense<0.000000e+00> : vector<256xf32>
    %reduce_sum3A_233 = vector.multi_reduction <add>, %mul3A_231, %reduce_sum3A_232 [1] : vector<256x4096xf32> to vector<256xf32>
    %broadcast_in_dim3A_234 = vector.shape_cast %reduce_sum3A_233 : vector<256xf32> to vector<256x1xf32>
    %div3A_235 = arith.divf %broadcast_in_dim3A_234, %broadcast_in_dim3A_200 : vector<256x1xf32>
    %sub3A_236 = arith.subf %div3A_235, %mul3A_115 : vector<256x1xf32>
    %integer_pow3A_237 = arith.mulf %sub3A_236, %sub3A_236 : vector<256x1xf32>
    %reduce_sum3A_238 = vector.shape_cast %integer_pow3A_237 : vector<256x1xf32> to vector<1x256x1xf32>
    %reduce_sum3A_239 = arith.constant dense<0.000000e+00> : vector<1xf32>
    %reduce_sum3A_240 = vector.multi_reduction <add>, %reduce_sum3A_238, %reduce_sum3A_239 [1, 2] : vector<1x256x1xf32> to vector<1xf32>
    %reduce_sum3A_241 = vector.shape_cast %reduce_sum3A_240 : vector<1xf32> to vector<1x1x1xf32>
    %reduce_sum3A_242 = vector.extract %reduce_sum3A_241[0, 0, 0] : f32 from vector<1x1x1xf32>
    %add3A_243 = arith.addf %add3A_229, %reduce_sum3A_242 : f32
    %get3A_244 = arith.constant 0 : index
    %get3A_245 = memref.load %arg13[%get3A_244] : memref<4xf32, #tpu.memory_space<smem>>
    %add3A_246 = arith.addf %get3A_245, %reduce_sum3A_176 : f32
    %swap3A_247 = arith.constant 0 : index
    %swap3A_248 = memref.load %arg13[%swap3A_247] : memref<4xf32, #tpu.memory_space<smem>>
    memref.store %add3A_246, %arg13[%swap3A_247] : memref<4xf32, #tpu.memory_space<smem>>
    %get3A_249 = arith.constant 1 : index
    %get3A_250 = memref.load %arg13[%get3A_249] : memref<4xf32, #tpu.memory_space<smem>>
    %add3A_251 = arith.addf %get3A_250, %mul3A_138 : f32
    %swap3A_252 = arith.constant 1 : index
    %swap3A_253 = memref.load %arg13[%swap3A_252] : memref<4xf32, #tpu.memory_space<smem>>
    memref.store %add3A_251, %arg13[%swap3A_252] : memref<4xf32, #tpu.memory_space<smem>>
    %get3A_254 = arith.constant 2 : index
    %get3A_255 = memref.load %arg13[%get3A_254] : memref<4xf32, #tpu.memory_space<smem>>
    %add3A_256 = arith.addf %get3A_255, %add3A_243 : f32
    %swap3A_257 = arith.constant 2 : index
    %swap3A_258 = memref.load %arg13[%swap3A_257] : memref<4xf32, #tpu.memory_space<smem>>
    memref.store %add3A_256, %arg13[%swap3A_257] : memref<4xf32, #tpu.memory_space<smem>>
    %eq3A_259 = arith.constant 15 : i32
    %eq3A_260 = arith.cmpi eq, %arg0, %eq3A_259 : i32
    %convert_element_type3A_261 = arith.extui %eq3A_260 : i1 to i32
    %cond3A_262 = arith.constant 0 : i32
    %cond3A_263 = arith.cmpi ne, %convert_element_type3A_261, %cond3A_262 : i32
    scf.if %cond3A_263 {
      %get3A_264 = arith.constant 0 : index
      %get3A_265 = arith.constant 0 : index
      %get3A_266 = vector.load %arg12[%get3A_264, %get3A_265] : memref<1x4096xf32, #tpu.memory_space<vmem>>, vector<1x4096xf32>
      %reduce_sum3A_267 = vector.shape_cast %get3A_266 : vector<1x4096xf32> to vector<1x1x4096xf32>
      %reduce_sum3A_268 = arith.constant dense<0.000000e+00> : vector<1xf32>
      %reduce_sum3A_269 = vector.multi_reduction <add>, %reduce_sum3A_267, %reduce_sum3A_268 [1, 2] : vector<1x1x4096xf32> to vector<1xf32>
      %reduce_sum3A_270 = vector.shape_cast %reduce_sum3A_269 : vector<1xf32> to vector<1x1x1xf32>
      %reduce_sum3A_271 = vector.extract %reduce_sum3A_270[0, 0, 0] : f32 from vector<1x1x1xf32>
      %get3A_272 = arith.constant 0 : index
      %get3A_273 = memref.load %arg13[%get3A_272] : memref<4xf32, #tpu.memory_space<smem>>
      %add3A_274 = arith.addf %get3A_273, %reduce_sum3A_271 : f32
      %mul3A_275 = arith.constant 2.000000e-02 : f32
      %mul3A_276 = arith.mulf %mul3A_275, %add3A_274 : f32
      %get3A_277 = arith.constant 1 : index
      %get3A_278 = memref.load %arg13[%get3A_277] : memref<4xf32, #tpu.memory_space<smem>>
      %mul3A_279 = arith.constant 2.000000e-02 : f32
      %mul3A_280 = arith.mulf %mul3A_279, %get3A_278 : f32
      %add3A_281 = arith.addf %mul3A_276, %mul3A_280 : f32
      %get3A_282 = arith.constant 2 : index
      %get3A_283 = memref.load %arg13[%get3A_282] : memref<4xf32, #tpu.memory_space<smem>>
      %mul3A_284 = arith.constant 6.000000e-03 : f32
      %mul3A_285 = arith.mulf %mul3A_284, %get3A_283 : f32
      %add3A_286 = arith.addf %add3A_281, %mul3A_285 : f32
      %broadcast_in_dim3A_287 = vector.broadcast %add3A_286 : f32 to vector<1x1xf32>
      %swap3A_288 = arith.constant 0 : index
      %swap3A_289 = arith.constant 0 : index
      %swap3A_290 = vector.load %arg11[%swap3A_288, %swap3A_289] : memref<1x1xf32, #tpu.memory_space<vmem>>, vector<1x1xf32>
      tpu.vector_store %arg11[%swap3A_288, %swap3A_289], %broadcast_in_dim3A_287 {strides = array<i32>} : memref<1x1xf32, #tpu.memory_space<vmem>>, vector<1x1xf32>,
    } else {
    }
    return
  }
  func.func @transform_0(%arg0: i32) -> (i32, i32) {
    %c0_i32 = arith.constant 0 : i32
    %c0_i32_0 = arith.constant 0 : i32
    return %arg0, %c0_i32 : i32, i32
  }
  func.func @transform_1(%arg0: i32) -> (i32, i32) {
    %c0_i32 = arith.constant 0 : i32
    %c0_i32_0 = arith.constant 0 : i32
    return %arg0, %c0_i32 : i32, i32
  }
  func.func @transform_2(%arg0: i32) -> (i32, i32) {
    %c0_i32 = arith.constant 0 : i32
    %c0_i32_0 = arith.constant 0 : i32
    return %arg0, %c0_i32 : i32, i32
  }
  func.func @transform_3(%arg0: i32) -> (i32, i32) {
    %c0_i32 = arith.constant 0 : i32
    %c0_i32_0 = arith.constant 0 : i32
    return %arg0, %c0_i32 : i32, i32
  }
  func.func @transform_4(%arg0: i32) -> (i32, i32) {
    %c0_i32 = arith.constant 0 : i32
    %c0_i32_0 = arith.constant 0 : i32
    return %arg0, %c0_i32 : i32, i32
  }
  func.func @transform_5(%arg0: i32) -> (i32, i32) {
    %c0_i32 = arith.constant 0 : i32
    %c0_i32_0 = arith.constant 0 : i32
    return %arg0, %c0_i32 : i32, i32
  }
  func.func @transform_6(%arg0: i32) -> (i32, i32) {
    %c0_i32 = arith.constant 0 : i32
    %c0_i32_0 = arith.constant 0 : i32
    %c0_i32_1 = arith.constant 0 : i32
    return %c0_i32, %c0_i32_0 : i32, i32
  }
  func.func @transform_7(%arg0: i32) -> (i32, i32) {
    %c0_i32 = arith.constant 0 : i32
    %c0_i32_0 = arith.constant 0 : i32
    %c0_i32_1 = arith.constant 0 : i32
    return %c0_i32, %c0_i32_0 : i32, i32
  }
  func.func @transform_8(%arg0: i32) -> (i32, i32) {
    %c0_i32 = arith.constant 0 : i32
    %c0_i32_0 = arith.constant 0 : i32
    %c0_i32_1 = arith.constant 0 : i32
    return %c0_i32, %c0_i32_0 : i32, i32
  }
  func.func @transform_9(%arg0: i32) -> (i32, i32) {
    %c0_i32 = arith.constant 0 : i32
    %c0_i32_0 = arith.constant 0 : i32
    %c0_i32_1 = arith.constant 0 : i32
    return %c0_i32, %c0_i32_0 : i32, i32
  }
  func.func @transform_10(%arg0: i32) -> (i32, i32) {
    %c0_i32 = arith.constant 0 : i32
    %c0_i32_0 = arith.constant 0 : i32
    %c0_i32_1 = arith.constant 0 : i32
    return %c0_i32, %c0_i32_0 : i32, i32
  }
}

</mosaic_0001>

<sc_bundles>
// kernel: kernel.5.cloned.1.call-start
scs
__scs_entry_jumppad:
0x0: {  	(pc) =	sbr.rel $0x88, $3  }
0x1: {  	(tag) =	ssettag $0x0;
	lr =	simm.s32 $0x1  }
0x2: {  	[smem:$0x3F9E] =	sst lr;
	_ =	strace $0xD0000000  }
0x3: {  	_ = 	snop  }
0x4: {  	_ = 	snop  }
0x5: {  	_ = 	snop  }
0x6: {  	_ = 	snop  }
0x7: {  	_ = 	snop  }
__scs_overlays_trampoline_lowered:
0x8: {  	[smem:$0x3FAD] =	sst s0  }
0x9: {  	[smem:$0x3FAE] =	sst s1  }
0xa: {  	[smem:$0x3FAF] =	sst s2  }
0xb: {  	[smem:$0x3FB0] =	sst s3  }
0xc: {  	[smem:$0x3FB1] =	sst s4  }
0xd: {  	[smem:$0x3FB2] =	sst s5  }
0xe: {  	[smem:$0x3FB3] =	sst s6  }
0xf: {  	[smem:$0x3FB4] =	sst s7  }
0x10: {  	[smem:$0x3FB5] =	sst s8  }
0x11: {  	[smem:$0x3FB6] =	sst s9;
	s0 =	simm.s32 @!p0 $0x0  }
0x12: {  	s1 =	sld [smem:$0x3F9C];
	s0 =	simm.s32 @p0 $0x1  }
0x13: {  	[smem:$0x3FB7] =	sst s0;
	s0 =	simm.s32 @!p1 $0x0  }
0x14: {  	s2 =	sld [smem:$0x3F9B];
	s0 =	simm.s32 @p1 $0x1  }
0x15: {  	[smem:$0x3FB8] =	sst s0;
	s0 =	simm.s32 @!p2 $0x0  }
0x16: {  	s3 =	sld [smem:$0x3FDB];
	s0 =	simm.s32 @p2 $0x1  }
0x17: {  	s4 =	simm.s32 $0x1BF5;
	[smem:$0x3FBA] =	sst s0  }
0x18: {  	s0 =	sld [smem:$0x3F9D];
	_ =	swait.ge [sflag:s4], $0x0  }
0x19: {  	s7 =	sld [smem:$0x3F9E]  }
0x1a: {  	s8 =	sadd.s32 $0xFFFFE003, lr  }
0x1b: {  	s9 =	sadd.s32 $0xFFFFFEF7, lr;
	s5 =	simm.s32 $0xFFFFFFFF;
	p2 =	slt.u32 s8, $0xFFFFF086  }
0x1c: {  	p1 =	slt.u32 s9, $0xF7A;
	s5 =	simm.s32 @!p2 $0x0  }
0x1d: {  	s5 =	simm.s32 @p1 $0x1;
	p0 =	seq.s32 s7, s2  }
0x1e: {  	s7 =	smul.u32 @!p0 $0xF7A, s2;
	p2 =	seq.s32 @!p0 s5, $0x0  }
0x1f: {  	s9 =	smul.u32 $0xF7A, s1;
	s8 =	simm.s32 @!p0 $0x1BF5;
	p2 =	por !p2, p0  }
0x20: {  	[sflag:s8] =	ssyncset.s32 @!p0 $0xFFFFF086;
	s6 =	sadd.s32 @!p0 s3, s7;
	s7 =	simm.s32 @!p0 $0x108  }
0x21: {  	s3 =	sadd.s32 s3, s9;
	s6 =	sadd.s32 @!p0 $0x88, s6;
	s7 =	simm.s32 @p2 $0x1082  }
0x22: {  	[simem:s7], [sflag:s8] =	dma.local @!p0 [hbm:s6], $0xF7A  }
0x23: {  	s9 =	sor.u32 $0xD0000000, s2;
	s6 =	simm.s32 $0x108;
	_ =	swait.ge @!p0 [sflag:s8], $0x0  }
0x24: {  	s3 =	sadd.s32 $0x88, s3;
	s6 =	simm.s32 @!p1 $0x1082;
	[sflag:s4] =	ssyncset.s32 $0xFFFFF086  }
0x25: {  	[simem:s6], [sflag:s4] =	dma.local [hbm:s3], $0xF7A  }
0x26: {  	[smem:$0x3F9E] =	sst s1;
	(tag) =	ssettag s2;
	_ =	strace s9  }
0x27: {  	s1 =	sld [smem:$0x3FAE]  }
0x28: {  	s2 =	sld [smem:$0x3FAF]  }
0x29: {  	s4 =	sld [smem:$0x3FB1]  }
0x2a: {  	p0 =	seq.s32 s5, $0x0;
	s5 =	sld [smem:$0x3FB2]  }
0x2b: {  	s6 =	sld [smem:$0x3FB3]  }
0x2c: {  	s7 =	sld [smem:$0x3FB4]  }
0x2d: {  	s3 =	simm.s32 $0x108;
	s8 =	sld [smem:$0x3FB5]  }
0x2e: {  	s3 =	simm.s32 @!p0 $0x1082;
	s9 =	sld [smem:$0x3FB6]  }
0x2f: {  	lr =	sadd.s32 s0, s3;
	s0 =	sld [smem:$0x3FAD]  }
0x30: {  	s3 =	sld [smem:$0x3FB0]  }
0x31: {  	[smem:$0x3FB9] =	sst s10  }
0x32: {  	s10 =	sld [smem:$0x3FB7];
	_ =	sdelay $0x3  }
0x33: {  	p0 =	seq.s32 s10, $0x1;
	s10 =	sld [smem:$0x3FB9];
	_ =	sdelay $0x3  }
0x34: {  	[smem:$0x3FB9] =	sst s10  }
0x35: {  	s10 =	sld [smem:$0x3FB8];
	_ =	sdelay $0x3  }
0x36: {  	p1 =	seq.s32 s10, $0x1;
	s10 =	sld [smem:$0x3FB9];
	_ =	sdelay $0x3  }
0x37: {  	[smem:$0x3FB9] =	sst s10  }
0x38: {  	s10 =	sld [smem:$0x3FBA]  }
0x39: {  	_ = 	snop;
	(pc) =	sbr.ind lr, $3  }
0x3a: {  	_ = 	snop  }
0x3b: {  	_ = 	snop  }
0x3c: {  	p2 =	seq.s32 s10, $0x1;
	s10 =	sld [smem:$0x3FB9]  }
0x3d: {  	_ =	shalt  }
0x3e: {  	_ =	shalt  }
0x3f: {  	_ =	shalt  }
0x40: {  	_ =	shalt  }
0x41: {  	_ =	shalt  }
0x42: {  	_ =	shalt  }
0x43: {  	_ =	shalt  }
0x44: {  	_ =	shalt  }
0x45: {  	_ =	shalt  }
0x46: {  	_ =	shalt  }
0x47: {  	_ =	shalt  }
0x48: {  	_ =	shalt  }
0x49: {  	_ =	shalt  }
0x4a: {  	_ =	shalt  }
0x4b: {  	_ =	shalt  }
0x4c: {  	_ =	shalt  }
0x4d: {  	_ =	shalt  }
0x4e: {  	_ =	shalt  }
0x4f: {  	_ =	shalt  }
0x50: {  	_ =	shalt  }
0x51: {  	_ =	shalt  }
0x52: {  	_ =	shalt  }
0x53: {  	_ =	shalt  }
0x54: {  	_ =	shalt  }
0x55: {  	_ =	shalt  }
0x56: {  	_ =	shalt  }
0x57: {  	_ =	shalt  }
0x58: {  	_ =	shalt  }
0x59: {  	_ =	shalt  }
0x5a: {  	_ =	shalt  }
0x5b: {  	_ =	shalt  }
0x5c: {  	_ =	shalt  }
0x5d: {  	_ =	shalt  }
0x5e: {  	_ =	shalt  }
0x5f: {  	_ =	shalt  }
0x60: {  	_ =	shalt  }
0x61: {  	_ =	shalt  }
0x62: {  	_ =	shalt  }
0x63: {  	_ =	shalt  }
0x64: {  	_ =	shalt  }
0x65: {  	_ =	shalt  }
0x66: {  	_ =	shalt  }
0x67: {  	_ =	shalt  }
0x68: {  	_ =	shalt  }
0x69: {  	_ =	shalt  }
0x6a: {  	_ =	shalt  }
0x6b: {  	_ =	shalt  }
0x6c: {  	_ =	shalt  }
0x6d: {  	_ =	shalt  }
0x6e: {  	_ =	shalt  }
0x6f: {  	_ =	shalt  }
0x70: {  	_ =	shalt  }
0x71: {  	_ =	shalt  }
0x72: {  	_ =	shalt  }
0x73: {  	_ =	shalt  }
0x74: {  	_ =	shalt  }
0x75: {  	_ =	shalt  }
0x76: {  	_ =	shalt  }
0x77: {  	_ =	shalt  }
0x78: {  	_ =	shalt  }
0x79: {  	_ =	shalt  }
0x7a: {  	_ =	shalt  }
0x7b: {  	_ =	shalt  }
0x7c: {  	_ =	shalt  }
0x7d: {  	_ =	shalt  }
0x7e: {  	_ =	shalt  }
0x7f: {  	_ =	shalt  }
0x80: {  	_ =	shalt  }
0x81: {  	_ =	shalt  }
0x82: {  	_ =	shalt  }
0x83: {  	_ =	shalt  }
0x84: {  	_ =	shalt  }
0x85: {  	_ =	shalt  }
0x86: {  	_ =	shalt  }
0x87: {  	_ =	shalt  }
.Lfunc_end0:
.L_simem_size_0:
called_computation_lowered:
.L_overlay_start_0:
0x88: {  	s2 =	sld [smem:$0x3FD9]  }
0x89: {  	s3 =	sld [smem:$0x3FFE];
	_ =	sdelay $0x1  }
0x8a: {  	s1 =	srdreg.scid  }
0x8b: {  	s0 =	sand.u32 $0x1, s1  }
0x8c: {  	s16 =	sshll.u32 s0, $0xA;
	s2 =	sadd.s32 s3, s2  }
0x8d: {  	s2 =	sadd.s32 s2, s16  }
0x8e: {  	[smem:$0x3FC5] =	sst s2  }
0x8f: {  	_ = 	snop  }
0x90: {  	(tm) =	ssettm $0x1  }
0x91: {  	s17 =	sld [smem:$0x3FFB];
	_ =	sdelay $0x3  }
0x92: {  	_ =	strace s17  }
0x93: {  	s2 =	sld [smem:$0x3FFC];
	_ =	sdelay $0x3  }
0x94: {  	_ =	strace s2  }
0x95: {  	s2 =	sld [smem:$0x3FFD];
	_ =	sdelay $0x3  }
0x96: {  	_ =	strace s2  }
0x97: {  	_ =	strace $0x8FFFFFFF  }
0x98: {  	s18 =	sld [smem:$0x3FDB];
	_ =	sdelay $0x1  }
0x99: {  	s19 =	simm.s32 $_scs_section_size  }
0x9a: {  	s4 =	simm.s32 $_size__tile_overlayer_lowered;
	s5 =	simm.s32 $_tile_overlayer_lowered  }
0x9b: {  	s22 =	simm.s32 $0x1BFF;
	s21 =	sshll.u32 s5, $0x1;
	s2 =	sadd.s32 s19, s18  }
0x9c: {  	s6 =	simm.s32 $0x0;
	s20 =	sshll.u32 s4, $0x1;
	s4 =	sadd.s32 s21, s2  }
0x9d: {  	[timem:s6], [sflag:s22] =	dma.local [hbm:s4], s20  }
0x9e: {  	_ =	swait.ge [sflag:s22], s20  }
0x9f: {  	s3 =	ssub.s32 $0x0, s20;
	[sflag:s22] =	ssyncset.done $0x0  }
0xa0: {  	[sflag:s22] =	ssyncadd.s32 s3;
	_ =	sdelay $0x1  }
0xa1: {  	s23 =	simm.s32 $0x1B8B  }
0xa2: {  	_ =	swait.ge [sflag:s23], $0x1  }
0xa3: {  	[sflag:s23] =	ssyncset.done $0x0  }
0xa4: {  	s25 =	simm.s32 $0x1B8E;
	s24 =	sld [smem:$0x3FFE];
	[sflag:s23] =	ssyncadd.s32 $0xFFFFFFFF  }
0xa5: {  	s26 =	simm.s32 $execute0_lowered;
	[smem:$0x3FD2] =	sst s25  }
0xa6: {  	s4 =	sshll.u32 s26, $0x1;
	_ =	strace $0x80000046;
	[dreg:$0x1] =	wrdreg $0xFFFFFFFF  }
0xa7: {  	s28 =	simm.s32 $_size_execute0_lowered;
	s2 =	sadd.s32 s2, s4;
	[dreg:$0x0] =	wrdreg $0x0  }
0xa8: {  	s4 =	sshll.u32 s28, $0x1;
	[dreg:$0x2] =	wrdreg s2  }
0xa9: {  	[dreg:$0x3] =	wrdreg s4  }
0xaa: {  	[dreg:$0x4] =	wrdreg $0xC0  }
0xab: {  	_ =	task [dreg:s6], $0x5FFFF  }
0xac: {  	[dreg:$0x1] =	wrdreg $0xFFFFFFFF  }
0xad: {  	[dreg:$0x0] =	wrdreg $0x60  }
0xae: {  	[dreg:$0x2] =	wrdreg s24  }
0xaf: {  	[dreg:$0x3] =	wrdreg $0x9  }
0xb0: {  	_ =	task.clear_ibuf [dreg:s6], $0x4FFFF;
	_ =	strace $0x90000046  }
0xb1: {  	s29 =	simm.s32 $0x9;
	_ =	strace $0x80000048  }
0xb2: {  	_ =	swait.ge [sflag:s29], $0x1  }
0xb3: {  	[sflag:s29] =	ssyncadd.s32 $0xFFFFFFFF  }
0xb4: {  	_ =	strace $0x90000048  }
0xb5: {  	_ =	sfence  }
0xb6: {  	s30 =	sld [smem:$0x0];
	_ =	sdelay $0x2  }
0xb7: {  	s31 =	sshll.u32 s1, $0xD;
	s1 =	sshrl.u32 s1, $0x2  }
0xb8: {  	s3 =	sand.u32 $0x4000, s31;
	s1 =	sadd.s32 s1, s30  }
0xb9: {  	s0 =	sor.u32 s3, s0;
	s1 =	sshll.u32 s1, $0x11  }
0xba: {  	s0 =	sor.u32 s1, s0  }
0xbb: {  	s0 =	sadd.s32 $0x8F2B, s0  }
0xbc: {  	[sflag:s0] =	ssyncadd.remote.s32 $0x1  }
0xbd: {  	_ =	sfence.sel $0xFFFF  }
0xbe: {  	[dreg:$0x0] =	wrdreg $0xFFFFFFFF;
	(pc) =	sbr.abs _section_cstart, $3  }
0xbf: {  	[dreg:$0x1] =	wrdreg $0xFFFFFFFF  }
0xc0: {  	_ =	task.clear_ibuf [dreg:s6], $0x2FFFF;
	_ =	strace $0x9FFFFFFF  }
0xc1: {  	(tm) =	ssettm $0x7FFFFFFF  }
tec
execute0_lowered:
.L_overlay_start_1:
0x0: {  	(tag) =	ssettag $0x1  }
0x1: {  	s0 =	rddreg [dreg:$0x0];
	s1 =	simm.s32 $0x0  }
0x2: {  	s6 =	srdreg.scid;
	s11 =	stileid.u32;
	s21 =	simm.s32 $0x1  }
0x3: {  	s22 =	simm.s32 $0xC000;
	s23 =	simm.s32 $0xC080;
	s24 =	simm.s32 $0xC100  }
0x4: {  	s25 =	simm.s32 $0xC180;
	s26 =	simm.s32 $0x0;
	[smem:$0x7FF] =	sst s1  }
0x5: {  	s2 =	sadd.s32 $0x1000, s0;
	s3 =	sadd.s32 $0xE00, s0;
	s4 =	sadd.s32 $0xC00, s0  }
0x6: {  	s5 =	sadd.s32 $0x1E00, s0;
	s7 =	sadd.s32 $0x2000, s0;
	s8 =	sadd.s32 $0x2200, s0  }
0x7: {  	s9 =	sadd.s32 $0x1C00, s0;
	s10 =	sadd.s32 $0x1A00, s0;
	s6 =	sand.u32 $0x1, s6  }
0x8: {  	s13 =	sshll.u32 s11, $0x1;
	s11 =	sadd.s32 $0x1800, s0;
	s12 =	sadd.s32 $0x1600, s0  }
0x9: {  	s14 =	sadd.s32 $0x1200, s0;
	_ =	strace $0x80000047;
	s15 =	sor.u32 s6, s13  }
0xa: {  	s13 =	sadd.s32 $0x1400, s0;
	s6 =	ssub.s32 $0x2, s6;
	s16 =	sshll.u32 s15, $0x4  }
0xb: {  	v0 =	vlaneseq.u32;
	v1 =	vimm.f32 $0.0e+00;
	s31 =	sshrl.u32 s6, $0x1;
	s15 =	sshll.u32 s15, $0x7;
	s0 =	sadd.s32 s16, s0  }
0xc: {  	vm0 =	vcmask $0x2328;
	vm1 =	vcmask $0x272C;
	vm2 =	vcmask $0x1F24;
	s6 =	ssub.s32 s6, s31;
	s16 =	sadd.s32 $0x2A00, s0;
	s17 =	sadd.s32 $0x2600, s0  }
0xd: {  	vm3 =	vcmask $0xF14;
	vm4 =	vcmask $0x1318;
	v2 =	vmov s15;
	s18 =	sadd.s32 $0x2400, s0;
	s19 =	sadd.s32 $0x2800, s0;
	s20 =	smax.u32 s6, $0x1  }
.LBB2_1:
0xe: {  	[tilespmem:s1], [sflag:$0x1] =	stream.linear.gather [hbm4b:s2+s1], $0x1000, $0x38;
	[tilespmem:$0xC200] =	vst v63  }
0xf: {  	_ =	swait.ge [sflag:s21], $0x1000  }
0x10: {  	[sflag:s21] =	ssyncset.done $0x0  }
0x11: {  	s0 =	simm.s32 $0x1000;
	[sflag:s21] =	ssyncadd.s32 $0xFFFFF000  }
0x12: {  	[tilespmem:s0], [sflag:$0x1] =	stream.linear.gather [hbm4b:s3+s1], $0x1000, $0x38;
	[tilespmem:$0xC200] =	vst v63  }
0x13: {  	_ =	swait.ge [sflag:s21], $0x1000  }
0x14: {  	[sflag:s21] =	ssyncset.done $0x0  }
0x15: {  	s30 =	simm.s32 $0x2000;
	[sflag:s21] =	ssyncadd.s32 $0xFFFFF000  }
0x16: {  	[tilespmem:s30], [sflag:$0x1] =	stream.linear.gather [hbm4b:s4+s1], $0x1000, $0x38;
	[tilespmem:$0xC200] =	vst v63  }
0x17: {  	_ =	swait.ge [sflag:s21], $0x1000  }
0x18: {  	[sflag:s21] =	ssyncset.done $0x0  }
0x19: {  	s31 =	simm.s32 $0x4000;
	[sflag:s21] =	ssyncadd.s32 $0xFFFFF000  }
0x1a: {  	[tilespmem:s31], [sflag:$0x1] =	stream.linear.gather [hbm4b:s5+s1], $0x1000, $0x38;
	[tilespmem:$0xC200] =	vst v63  }
0x1b: {  	_ =	swait.ge [sflag:s21], $0x1000  }
0x1c: {  	[sflag:s21] =	ssyncset.done $0x0  }
0x1d: {  	s6 =	simm.s32 $0x5000;
	[sflag:s21] =	ssyncadd.s32 $0xFFFFF000  }
0x1e: {  	[tilespmem:s6], [sflag:$0x1] =	stream.linear.gather [hbm4b:s7+s1], $0x1000, $0x38;
	[tilespmem:$0xC200] =	vst v63  }
0x1f: {  	_ =	swait.ge [sflag:s21], $0x1000  }
0x20: {  	[sflag:s21] =	ssyncset.done $0x0  }
0x21: {  	s29 =	simm.s32 $0x6000;
	[sflag:s21] =	ssyncadd.s32 $0xFFFFF000  }
0x22: {  	[tilespmem:s29], [sflag:$0x1] =	stream.linear.gather [hbm4b:s8+s1], $0x1000, $0x38;
	[tilespmem:$0xC200] =	vst v63  }
0x23: {  	_ =	swait.ge [sflag:s21], $0x1000  }
0x24: {  	[sflag:s21] =	ssyncset.done $0x0  }
0x25: {  	s30 =	simm.s32 $0x8000;
	[sflag:s21] =	ssyncadd.s32 $0xFFFFF000  }
0x26: {  	[tilespmem:s30], [sflag:$0x1] =	stream.linear.gather [hbm4b:s9+s1], $0x1000, $0x38;
	[tilespmem:$0xC200] =	vst v63  }
0x27: {  	_ =	swait.ge [sflag:s21], $0x1000  }
0x28: {  	[sflag:s21] =	ssyncset.done $0x0  }
0x29: {  	s31 =	simm.s32 $0x9000;
	[sflag:s21] =	ssyncadd.s32 $0xFFFFF000  }
0x2a: {  	[tilespmem:s31], [sflag:$0x1] =	stream.linear.gather [hbm4b:s10+s1], $0x1000, $0x38;
	[tilespmem:$0xC200] =	vst v63  }
0x2b: {  	_ =	swait.ge [sflag:s21], $0x1000  }
0x2c: {  	[sflag:s21] =	ssyncset.done $0x0  }
0x2d: {  	s6 =	simm.s32 $0xA000;
	[sflag:s21] =	ssyncadd.s32 $0xFFFFF000  }
0x2e: {  	[tilespmem:s6], [sflag:$0x1] =	stream.linear.gather [hbm4b:s11+s1], $0x1000, $0x38;
	[tilespmem:$0xC200] =	vst v63  }
0x2f: {  	_ =	swait.ge [sflag:s21], $0x1000  }
0x30: {  	[sflag:s21] =	ssyncset.done $0x0  }
0x31: {  	s29 =	simm.s32 $0x3000;
	[sflag:s21] =	ssyncadd.s32 $0xFFFFF000  }
0x32: {  	[tilespmem:s29], [sflag:$0x1] =	stream.linear.gather [hbm4b:s12+s1], $0x1000, $0x38;
	[tilespmem:$0xC200] =	vst v63  }
0x33: {  	_ =	swait.ge [sflag:s21], $0x1000  }
0x34: {  	[sflag:s21] =	ssyncset.done $0x0  }
0x35: {  	s30 =	simm.s32 $0x7000;
	[sflag:s21] =	ssyncadd.s32 $0xFFFFF000  }
0x36: {  	[tilespmem:s30], [sflag:$0x1] =	stream.linear.gather [hbm4b:s13+s1], $0x1000, $0x38;
	[tilespmem:$0xC200] =	vst v63  }
0x37: {  	_ =	swait.ge [sflag:s21], $0x1000  }
0x38: {  	[sflag:s21] =	ssyncset.done $0x0  }
0x39: {  	s31 =	simm.s32 $0xB000;
	[sflag:s21] =	ssyncadd.s32 $0xFFFFF000  }
0x3a: {  	[tilespmem:s31], [sflag:$0x1] =	stream.linear.gather [hbm4b:s14+s1], $0x1000, $0x38;
	[tilespmem:$0xC200] =	vst v63  }
0x3b: {  	_ =	swait.ge [sflag:s21], $0x1000  }
0x3c: {  	[sflag:s21] =	ssyncset.done $0x0  }
0x3d: {  	s28 =	simm.s32 $0x0;
	[sflag:s21] =	ssyncadd.s32 $0xFFFFF000  }
.LBB2_2:
0x3e: {  	_ =	sdelay $0x2  }
0x3f: {  	s29 =	sshll.u32 s28, $0x4  }
0x40: {  	v3 =	vld.idx.msk [tilespmem:v2+s29+$0x4000 ss:$0x1], $0xffff  }
0x41: {  	v4 =	vld.idx.msk [tilespmem:v2+s29+$0x5000 ss:$0x1], $0xffff  }
0x42: {  	v6 =	vld.idx.msk [tilespmem:v2+s29+$0x6000 ss:$0x1], $0xffff  }
0x43: {  	s30 =	simm.s32 $0x0;
	v5 =	vimm.f32 $0.0e+00;
	v7 =	vld.idx.msk [tilespmem:v2+s29+$0x7000 ss:$0x1], $0xffff  }
.LBB2_3:
0x44: {  	v8 =	vmov s30  }
0x45: {  	vm5 =	veq.s32 v8, v0  }
0x46: {  	v8 =	vnsel vm5, $0x7F800000, v3  }
0x47: {  	(xrf0) =	vmin.scan.msk.f32 $0xffff, v8;
	v8 =	vnsel vm5, $0x7F800000, v4  }
0x48: {  	(xrf0) =	vmin.scan.msk.f32 $0xffff, v8;
	_ =	sdelay $0x1  }
0x49: {  	s0 =	simm.s32 $0x0;
	v8 =	vnsel vm5, $0x7F800000, v6  }
0x4a: {  	v11 =	vld [tilespmem:s0+$0x4000];
	(xrf0) =	vmin.scan.msk.f32 $0xffff, v8  }
0x4b: {  	v12 =	vld [tilespmem:s0+$0x5000]  }
0x4c: {  	v8, _, _ =	vpop (xrf0)  }
0x4d: {  	v9, _, _ =	vpop (xrf0)  }
0x4e: {  	v13 =	vld [tilespmem:s0+$0x6000];
	v8 =	vbroadcast v8, $0xF;
	v9 =	vbroadcast v9, $0xF  }
0x4f: {  	v14 =	vnsel vm5, $0x7F800000, v7  }
0x50: {  	(xrf0) =	vmin.scan.msk.f32 $0xffff, v14;
	v10, _, _ =	vpop (xrf0);
	v11 =	vmul.f32 v11, v8;
	v12 =	vmul.f32 v12, v9  }
0x51: {  	v10 =	vbroadcast v10, $0xF  }
0x52: {  	v11 =	vadd.f32 v12, v11  }
0x53: {  	v12 =	vmul.f32 v13, v10;
	_ =	sdelay $0x1  }
0x54: {  	v12 =	vadd.f32 v12, v11  }
0x55: {  	v13 =	vld [tilespmem:s0+$0x7000];
	v11, _, _ =	vpop (xrf0)  }
0x56: {  	v12 =	vadd.f32 v12, v12;
	v11 =	vbroadcast v11, $0xF;
	_ =	sdelay $0x1  }
0x57: {  	v12 =	vsub.f32 v11, v12;
	_ =	sdelay $0x1  }
0x58: {  	v12 =	vadd.f32 v12, v13  }
0x59: {  	s31 =	simm.f32 $+Inf  }
0x5a: {  	vm6 =	vlt.f32 v12, s31  }
0x5b: {  	v13 =	vsel vm6, $0x3F800000, v1  }
0x5c: {  	(xrf0) =	vmax.scan.msk.f32 $0xffff, v13;
	_ =	sdelay $0x5  }
0x5d: {  	v13, _, _ =	vpop (xrf0)  }
0x5e: {  	(v2sf) =	vpush v13, $0xF;
	_ =	sdelay $0xe  }
0x5f: {  	s6 =	spop (v2sf)  }
0x60: {  	p0 =	sgt.f32 s6, $0.0e+00;
	_ =	sdelay $0x1  }
0x61: {  	(xrf1) =	vsort.ascd.msk.f32 @p0 $0xffff, v12, v12;
	_ =	sdelay $0xa  }
0x62: {  	v12 =	vlaneseq.u32 @p0  }
0x63: {  	v12 =	vmul.u32 @p0 $0xFFFFFFFF, v12;
	_ =	sdelay $0x1  }
0x64: {  	v12 =	vadd.s32 @p0 $0xF, v12;
	v13, _, _ =	vpop @p0 (xrf1)  }
0x65: {  	v12 =	vperm.xlane @p0 v13, v12  }
0x66: {  	v13 =	vimm.f32 $+Inf  }
0x67: {  	v12 =	vmin.f32 @p0 v13, v12  }
0x68: {  	(xrf1) =	vsort.ascd.msk.f32 @p0 $0xffff, v12, v12;
	_ =	sdelay $0xd  }
0x69: {  	v14, _, _ =	vpop @p0 (xrf1)  }
0x6a: {  	s0 =	simm.s32 $0x40;
	v12 =	vpsel p0, v14, v13;
	(xrf0) =	vmax.scan.msk.f32 @p0 $0xffff, v14  }
.LBB2_4:
0x6b: {  	_ =	sdelay $0x3  }
0x6c: {  	s6 =	sshra.s32 s0, $0x2  }
0x6d: {  	s0 =	sadd.s32 $0x40, s0;
	v13 =	vld [tilespmem:s6+$0x4000];
	v14, _, _ =	vpop @p0 (xrf0)  }
0x6e: {  	p1 =	sne.s32 s0, $0x4000;
	v15 =	vld [tilespmem:s6+$0x5000];
	(v2sf) =	vpush @p0 v14, $0xF;
	_ =	sdelay $0x1  }
0x6f: {  	v14 =	vld [tilespmem:s6+$0x6000];
	_ =	sdelay $0x2  }
0x70: {  	v13 =	vmul.f32 v13, v8;
	v15 =	vmul.f32 v15, v9;
	_ =	sdelay $0x1  }
0x71: {  	v13 =	vadd.f32 v15, v13;
	v14 =	vmul.f32 v14, v10;
	_ =	sdelay $0x1  }
0x72: {  	v13 =	vadd.f32 v14, v13  }
0x73: {  	v14 =	vld [tilespmem:s6+$0x7000]  }
0x74: {  	v13 =	vadd.f32 v13, v13;
	_ =	sdelay $0x1  }
0x75: {  	v13 =	vsub.f32 v11, v13;
	_ =	sdelay $0x1  }
0x76: {  	v13 =	vadd.f32 v13, v14;
	s6 =	spop @p0 (v2sf)  }
0x77: {  	s31 =	smov.u32 @p0 s6  }
0x78: {  	vm6 =	vlt.f32 v13, s31  }
0x79: {  	v14 =	vsel vm6, $0x3F800000, v1  }
0x7a: {  	(xrf0) =	vmax.scan.msk.f32 $0xffff, v14;
	_ =	sdelay $0x5  }
0x7b: {  	v14, _, _ =	vpop (xrf0)  }
0x7c: {  	(v2sf) =	vpush v14, $0xF;
	_ =	sdelay $0xe  }
0x7d: {  	s6 =	spop (v2sf)  }
0x7e: {  	p0 =	sgt.f32 s6, $0.0e+00;
	_ =	sdelay $0x1  }
0x7f: {  	(xrf1) =	vsort.ascd.msk.f32 @p0 $0xffff, v13, v13;
	_ =	sdelay $0xa  }
0x80: {  	v13 =	vlaneseq.u32 @p0  }
0x81: {  	v13 =	vmul.u32 @p0 $0xFFFFFFFF, v13;
	_ =	sdelay $0x1  }
0x82: {  	v13 =	vadd.s32 @p0 $0xF, v13;
	v14, _, _ =	vpop @p0 (xrf1)  }
0x83: {  	v13 =	vperm.xlane @p0 v14, v13;
	_ =	sdelay $0x1  }
0x84: {  	v13 =	vmin.f32 @p0 v12, v13  }
0x85: {  	(xrf1) =	vsort.ascd.msk.f32 @p0 $0xffff, v13, v13;
	_ =	sdelay $0xa  }
.Ltmp0:
0x86: {  	(pc) =	sbr.rel @p1 .LBB2_4-.Ltmp0, $3  }
0x87: {  	_ =	sdelay $0x1  }
0x88: {  	v13, _, _ =	vpop @p0 (xrf1)  }
0x89: {  	v12 =	vpsel p0, v13, v12;
	(xrf0) =	vmax.scan.msk.f32 @p0 $0xffff, v13  }
0x8a: {  	v8 =	vsel vm0, $0x7F800000, v12  }
0x8b: {  	(xrf0) =	vmin.scan.msk.f32 $0xffff, v8;
	v8 =	vsel vm1, $0x7F800000, v12  }
0x8c: {  	(xrf0) =	vmin.scan.msk.f32 $0xffff, v8;
	_ =	sdelay $0x3  }
0x8d: {  	v8, _, _ =	vpop @p0 (xrf0)  }
0x8e: {  	(v2sf) =	vpush @p0 v8, $0xF;
	v9, _, _ =	vpop (xrf0)  }
0x8f: {  	(v2sf) =	vpush v9, $0xF;
	v8, _, _ =	vpop (xrf0)  }
0x90: {  	(v2sf) =	vpush v8, $0xF;
	_ =	sdelay $0xc  }
0x91: {  	s0 =	spop @p0 (v2sf)  }
0x92: {  	s30 =	sadd.s32 $0x1, s30;
	s0 =	spop (v2sf)  }
0x93: {  	p0 =	sne.s32 s30, $0x10;
	s6 =	spop (v2sf)  }
.Ltmp1:
0x94: {  	s0 =	sadd.f32 s6, s0;
	(pc) =	sbr.rel @p0 .LBB2_3-.Ltmp1, $3  }
0x95: {  	_ = 	snop  }
0x96: {  	s0 =	smul.f32 $5.000000000e-01, s0;
	_ =	sdelay $0x1  }
0x97: {  	v5 =	vsel vm5, s0, v5  }
0x98: {  	s28 =	sadd.s32 $0x1, s28  }
0x99: {  	p0 =	sne.s32 s28, $0x8  }
.Ltmp2:
0x9a: {  	_ = 	snop;
	(pc) =	sbr.rel @p0 .LBB2_2-.Ltmp2, $2  }
0x9b: {  	_ =	sdelay $0x2  }
0x9c: {  	[tilespmem:s29+$0xC000] =	vst v5  }
0x9d: {  	s28 =	simm.s32 $0x0  }
0x9e: {  	[hbm4b:s16+s28] =	stream.linear.scatter [tilespmem:s22], [sflag:$0x1], $0x80, $0x38;
	[tilespmem:$0xC200] =	vst v63  }
0x9f: {  	_ =	swait.ge [sflag:s21], $0x80  }
0xa0: {  	[sflag:s21] =	ssyncset.done $0x0  }
0xa1: {  	[sflag:s21] =	ssyncadd.s32 $0xFFFFFF80  }
.LBB2_8:
0xa2: {  	s29 =	sshll.u32 s28, $0x4  }
0xa3: {  	s0 =	sor.u32 s15, s29  }
0xa4: {  	v4 =	vld [tilespmem:s0+$0x0]  }
0xa5: {  	v5 =	vld [tilespmem:s0+$0x1000]  }
0xa6: {  	v6 =	vld [tilespmem:s0+$0x2000]  }
0xa7: {  	v3 =	vimm.f32 $0.0e+00;
	v7 =	vimm.f32 $0.0e+00;
	s30 =	simm.s32 $0x0;
	v8 =	vld [tilespmem:s0+$0x3000]  }
.LBB2_9:
0xa8: {  	v9 =	vmov s30  }
0xa9: {  	vm5 =	veq.s32 v9, v0  }
0xaa: {  	v9 =	vnsel vm5, $0x7F800000, v4  }
0xab: {  	(xrf0) =	vmin.scan.msk.f32 $0xffff, v9;
	v9 =	vnsel vm5, $0x7F800000, v5  }
0xac: {  	(xrf0) =	vmin.scan.msk.f32 $0xffff, v9;
	_ =	sdelay $0x1  }
0xad: {  	s0 =	simm.s32 $0x0;
	v9 =	vnsel vm5, $0x7F800000, v6  }
0xae: {  	v12 =	vld [tilespmem:s0+$0x0];
	(xrf0) =	vmin.scan.msk.f32 $0xffff, v9  }
0xaf: {  	v13 =	vld [tilespmem:s0+$0x1000]  }
0xb0: {  	v9, _, _ =	vpop (xrf0)  }
0xb1: {  	v10, _, _ =	vpop (xrf0)  }
0xb2: {  	v14 =	vld [tilespmem:s0+$0x2000];
	v9 =	vbroadcast v9, $0xF;
	v10 =	vbroadcast v10, $0xF  }
0xb3: {  	v15 =	vnsel vm5, $0x7F800000, v8  }
0xb4: {  	(xrf0) =	vmin.scan.msk.f32 $0xffff, v15;
	v11, _, _ =	vpop (xrf0);
	v12 =	vmul.f32 v12, v9;
	v13 =	vmul.f32 v13, v10  }
0xb5: {  	v11 =	vbroadcast v11, $0xF  }
0xb6: {  	v12 =	vadd.f32 v13, v12  }
0xb7: {  	v13 =	vmul.f32 v14, v11;
	_ =	sdelay $0x1  }
0xb8: {  	v13 =	vadd.f32 v13, v12  }
0xb9: {  	v14 =	vld [tilespmem:s0+$0x3000];
	v12, _, _ =	vpop (xrf0)  }
0xba: {  	v13 =	vadd.f32 v13, v13;
	v12 =	vbroadcast v12, $0xF;
	_ =	sdelay $0x1  }
0xbb: {  	v13 =	vsub.f32 v12, v13;
	_ =	sdelay $0x1  }
0xbc: {  	v13 =	vadd.f32 v13, v14  }
0xbd: {  	s31 =	simm.f32 $+Inf  }
0xbe: {  	vm6 =	vlt.f32 v13, s31  }
0xbf: {  	v14 =	vsel vm6, $0x3F800000, v1  }
0xc0: {  	(xrf0) =	vmax.scan.msk.f32 $0xffff, v14;
	_ =	sdelay $0x5  }
0xc1: {  	v14, _, _ =	vpop (xrf0)  }
0xc2: {  	(v2sf) =	vpush v14, $0xF;
	_ =	sdelay $0xe  }
0xc3: {  	s6 =	spop (v2sf)  }
0xc4: {  	p0 =	sgt.f32 s6, $0.0e+00;
	_ =	sdelay $0x1  }
0xc5: {  	(xrf1) =	vsort.ascd.msk.f32 @p0 $0xffff, v13, v13;
	_ =	sdelay $0xa  }
0xc6: {  	v13 =	vlaneseq.u32 @p0  }
0xc7: {  	v13 =	vmul.u32 @p0 $0xFFFFFFFF, v13;
	_ =	sdelay $0x1  }
0xc8: {  	v13 =	vadd.s32 @p0 $0xF, v13;
	v14, _, _ =	vpop @p0 (xrf1)  }
0xc9: {  	v13 =	vperm.xlane @p0 v14, v13  }
0xca: {  	v14 =	vimm.f32 $+Inf  }
0xcb: {  	v13 =	vmin.f32 @p0 v14, v13  }
0xcc: {  	(xrf1) =	vsort.ascd.msk.f32 @p0 $0xffff, v13, v13;
	_ =	sdelay $0xd  }
0xcd: {  	v15, _, _ =	vpop @p0 (xrf1)  }
0xce: {  	s0 =	simm.s32 $0x40;
	v13 =	vpsel p0, v15, v14;
	(xrf0) =	vmax.scan.msk.f32 @p0 $0xffff, v15  }
.LBB2_10:
0xcf: {  	_ =	sdelay $0x3  }
0xd0: {  	s6 =	sshra.s32 s0, $0x2  }
0xd1: {  	s0 =	sadd.s32 $0x40, s0;
	v14 =	vld [tilespmem:s6+$0x0];
	v15, _, _ =	vpop @p0 (xrf0)  }
0xd2: {  	p1 =	sne.s32 s0, $0x4000;
	v16 =	vld [tilespmem:s6+$0x1000];
	(v2sf) =	vpush @p0 v15, $0xF;
	_ =	sdelay $0x1  }
0xd3: {  	v15 =	vld [tilespmem:s6+$0x2000];
	_ =	sdelay $0x2  }
0xd4: {  	v14 =	vmul.f32 v14, v9;
	v16 =	vmul.f32 v16, v10;
	_ =	sdelay $0x1  }
0xd5: {  	v14 =	vadd.f32 v16, v14;
	v15 =	vmul.f32 v15, v11;
	_ =	sdelay $0x1  }
0xd6: {  	v14 =	vadd.f32 v15, v14  }
0xd7: {  	v15 =	vld [tilespmem:s6+$0x3000]  }
0xd8: {  	v14 =	vadd.f32 v14, v14;
	_ =	sdelay $0x1  }
0xd9: {  	v14 =	vsub.f32 v12, v14;
	_ =	sdelay $0x1  }
0xda: {  	v14 =	vadd.f32 v14, v15;
	s6 =	spop @p0 (v2sf)  }
0xdb: {  	s31 =	smov.u32 @p0 s6  }
0xdc: {  	vm6 =	vlt.f32 v14, s31  }
0xdd: {  	v15 =	vsel vm6, $0x3F800000, v1  }
0xde: {  	(xrf0) =	vmax.scan.msk.f32 $0xffff, v15;
	_ =	sdelay $0x5  }
0xdf: {  	v15, _, _ =	vpop (xrf0)  }
0xe0: {  	(v2sf) =	vpush v15, $0xF;
	_ =	sdelay $0xe  }
0xe1: {  	s6 =	spop (v2sf)  }
0xe2: {  	p0 =	sgt.f32 s6, $0.0e+00;
	_ =	sdelay $0x1  }
0xe3: {  	(xrf1) =	vsort.ascd.msk.f32 @p0 $0xffff, v14, v14;
	_ =	sdelay $0xa  }
0xe4: {  	v14 =	vlaneseq.u32 @p0  }
0xe5: {  	v14 =	vmul.u32 @p0 $0xFFFFFFFF, v14;
	_ =	sdelay $0x1  }
0xe6: {  	v14 =	vadd.s32 @p0 $0xF, v14;
	v15, _, _ =	vpop @p0 (xrf1)  }
0xe7: {  	v14 =	vperm.xlane @p0 v15, v14;
	_ =	sdelay $0x1  }
0xe8: {  	v14 =	vmin.f32 @p0 v13, v14  }
0xe9: {  	(xrf1) =	vsort.ascd.msk.f32 @p0 $0xffff, v14, v14;
	_ =	sdelay $0xa  }
.Ltmp3:
0xea: {  	(pc) =	sbr.rel @p1 .LBB2_10-.Ltmp3, $3  }
0xeb: {  	_ =	sdelay $0x1  }
0xec: {  	v14, _, _ =	vpop @p0 (xrf1)  }
0xed: {  	v13 =	vpsel p0, v14, v13;
	(xrf0) =	vmax.scan.msk.f32 @p0 $0xffff, v14  }
0xee: {  	v9 =	vsel vm0, $0x7F800000, v13  }
0xef: {  	(xrf0) =	vmin.scan.msk.f32 $0xffff, v9;
	v9 =	vsel vm1, $0x7F800000, v13  }
0xf0: {  	(xrf0) =	vmin.scan.msk.f32 $0xffff, v9;
	v9 =	vsel vm2, $0x7F800000, v13  }
0xf1: {  	(xrf0) =	vmin.scan.msk.f32 $0xffff, v9;
	_ =	sdelay $0x2  }
0xf2: {  	v9, _, _ =	vpop @p0 (xrf0)  }
0xf3: {  	(v2sf) =	vpush @p0 v9, $0xF;
	v10, _, _ =	vpop (xrf0)  }
0xf4: {  	v9, _, _ =	vpop (xrf0);
	(v2sf) =	vpush v10, $0xF  }
0xf5: {  	(v2sf) =	vpush v9, $0xF;
	v9, _, _ =	vpop (xrf0)  }
0xf6: {  	(v2sf) =	vpush v9, $0xF;
	_ =	sdelay $0xb  }
0xf7: {  	s0 =	spop @p0 (v2sf)  }
0xf8: {  	s0 =	spop (v2sf)  }
0xf9: {  	s30 =	sadd.s32 $0x1, s30;
	s6 =	spop (v2sf)  }
0xfa: {  	p0 =	sne.s32 s30, $0x10;
	s6 =	sadd.f32 s6, s0;
	s31 =	spop (v2sf)  }
.Ltmp4:
0xfb: {  	s0 =	sadd.f32 s0, s31;
	(pc) =	sbr.rel @p0 .LBB2_9-.Ltmp4, $3  }
0xfc: {  	s6 =	smul.f32 $5.000000000e-01, s6  }
0xfd: {  	s0 =	smul.f32 $5.000000000e-01, s0;
	_ =	sdelay $0x1  }
0xfe: {  	v7 =	vsel vm5, s6, v7;
	v3 =	vsel vm5, s0, v3  }
0xff: {  	s28 =	sadd.s32 $0x1, s28  }
0x100: {  	p0 =	sne.s32 s28, $0x8  }
.Ltmp5:
0x101: {  	_ = 	snop;
	(pc) =	sbr.rel @p0 .LBB2_8-.Ltmp5, $3  }
0x102: {  	_ =	sdelay $0x1  }
0x103: {  	[tilespmem:s29+$0xC080] =	vst v7  }
0x104: {  	[tilespmem:s29+$0xC100] =	vst v3  }
0x105: {  	s28 =	simm.s32 $0x0  }
0x106: {  	[hbm4b:s17+s28] =	stream.linear.scatter [tilespmem:s23], [sflag:$0x1], $0x80, $0x38;
	[tilespmem:$0xC200] =	vst v63  }
0x107: {  	_ =	swait.ge [sflag:s21], $0x80  }
0x108: {  	[sflag:s21] =	ssyncset.done $0x0  }
0x109: {  	[sflag:s21] =	ssyncadd.s32 $0xFFFFFF80  }
0x10a: {  	[hbm4b:s18+s28] =	stream.linear.scatter [tilespmem:s24], [sflag:$0x1], $0x80, $0x38;
	[tilespmem:$0xC200] =	vst v63  }
0x10b: {  	_ =	swait.ge [sflag:s21], $0x80  }
0x10c: {  	[sflag:s21] =	ssyncset.done $0x0  }
0x10d: {  	[sflag:s21] =	ssyncadd.s32 $0xFFFFFF80  }
.LBB2_14:
0x10e: {  	s29 =	sshll.u32 s28, $0x4  }
0x10f: {  	s0 =	sor.u32 s15, s29  }
0x110: {  	v3 =	vld [tilespmem:s0+$0x8000]  }
0x111: {  	v5 =	vld [tilespmem:s0+$0x9000]  }
0x112: {  	v6 =	vld [tilespmem:s0+$0xA000]  }
0x113: {  	v4 =	vimm.f32 $0.0e+00;
	s30 =	simm.s32 $0x0;
	v7 =	vld [tilespmem:s0+$0xB000]  }
.LBB2_15:
0x114: {  	v8 =	vmov s30  }
0x115: {  	vm5 =	veq.s32 v8, v0  }
0x116: {  	v8 =	vnsel vm5, $0x7F800000, v3  }
0x117: {  	(xrf0) =	vmin.scan.msk.f32 $0xffff, v8;
	v8 =	vnsel vm5, $0x7F800000, v5  }
0x118: {  	(xrf0) =	vmin.scan.msk.f32 $0xffff, v8;
	_ =	sdelay $0x1  }
0x119: {  	s0 =	simm.s32 $0x0;
	v8 =	vnsel vm5, $0x7F800000, v6  }
0x11a: {  	v11 =	vld [tilespmem:s0+$0x4000];
	(xrf0) =	vmin.scan.msk.f32 $0xffff, v8  }
0x11b: {  	v12 =	vld [tilespmem:s0+$0x5000]  }
0x11c: {  	v8, _, _ =	vpop (xrf0)  }
0x11d: {  	v9, _, _ =	vpop (xrf0)  }
0x11e: {  	v13 =	vld [tilespmem:s0+$0x6000];
	v8 =	vbroadcast v8, $0xF;
	v9 =	vbroadcast v9, $0xF  }
0x11f: {  	v14 =	vnsel vm5, $0x7F800000, v7  }
0x120: {  	(xrf0) =	vmin.scan.msk.f32 $0xffff, v14;
	v10, _, _ =	vpop (xrf0);
	v11 =	vmul.f32 v11, v8;
	v12 =	vmul.f32 v12, v9  }
0x121: {  	v10 =	vbroadcast v10, $0xF  }
0x122: {  	v11 =	vadd.f32 v12, v11  }
0x123: {  	v12 =	vmul.f32 v13, v10;
	_ =	sdelay $0x1  }
0x124: {  	v12 =	vadd.f32 v12, v11  }
0x125: {  	v13 =	vld [tilespmem:s0+$0x7000];
	v11, _, _ =	vpop (xrf0)  }
0x126: {  	v12 =	vadd.f32 v12, v12;
	v11 =	vbroadcast v11, $0xF;
	_ =	sdelay $0x1  }
0x127: {  	v12 =	vsub.f32 v11, v12;
	_ =	sdelay $0x1  }
0x128: {  	v12 =	vadd.f32 v12, v13  }
0x129: {  	s31 =	simm.f32 $+Inf  }
0x12a: {  	vm6 =	vlt.f32 v12, s31  }
0x12b: {  	v13 =	vsel vm6, $0x3F800000, v1  }
0x12c: {  	(xrf0) =	vmax.scan.msk.f32 $0xffff, v13;
	_ =	sdelay $0x5  }
0x12d: {  	v13, _, _ =	vpop (xrf0)  }
0x12e: {  	(v2sf) =	vpush v13, $0xF;
	_ =	sdelay $0xe  }
0x12f: {  	s6 =	spop (v2sf)  }
0x130: {  	p0 =	sgt.f32 s6, $0.0e+00;
	_ =	sdelay $0x1  }
0x131: {  	(xrf1) =	vsort.ascd.msk.f32 @p0 $0xffff, v12, v12;
	_ =	sdelay $0xa  }
0x132: {  	v12 =	vlaneseq.u32 @p0  }
0x133: {  	v12 =	vmul.u32 @p0 $0xFFFFFFFF, v12;
	_ =	sdelay $0x1  }
0x134: {  	v12 =	vadd.s32 @p0 $0xF, v12;
	v13, _, _ =	vpop @p0 (xrf1)  }
0x135: {  	v12 =	vperm.xlane @p0 v13, v12  }
0x136: {  	v13 =	vimm.f32 $+Inf  }
0x137: {  	v12 =	vmin.f32 @p0 v13, v12  }
0x138: {  	(xrf1) =	vsort.ascd.msk.f32 @p0 $0xffff, v12, v12;
	_ =	sdelay $0xd  }
0x139: {  	v14, _, _ =	vpop @p0 (xrf1)  }
0x13a: {  	s0 =	simm.s32 $0x40;
	v12 =	vpsel p0, v14, v13;
	(xrf0) =	vmax.scan.msk.f32 @p0 $0xffff, v14  }
.LBB2_16:
0x13b: {  	_ =	sdelay $0x3  }
0x13c: {  	s6 =	sshra.s32 s0, $0x2  }
0x13d: {  	s0 =	sadd.s32 $0x40, s0;
	v13 =	vld [tilespmem:s6+$0x4000];
	v14, _, _ =	vpop @p0 (xrf0)  }
0x13e: {  	p1 =	sne.s32 s0, $0x4000;
	v15 =	vld [tilespmem:s6+$0x5000];
	(v2sf) =	vpush @p0 v14, $0xF;
	_ =	sdelay $0x1  }
0x13f: {  	v14 =	vld [tilespmem:s6+$0x6000];
	_ =	sdelay $0x2  }
0x140: {  	v13 =	vmul.f32 v13, v8;
	v15 =	vmul.f32 v15, v9;
	_ =	sdelay $0x1  }
0x141: {  	v13 =	vadd.f32 v15, v13;
	v14 =	vmul.f32 v14, v10;
	_ =	sdelay $0x1  }
0x142: {  	v13 =	vadd.f32 v14, v13  }
0x143: {  	v14 =	vld [tilespmem:s6+$0x7000]  }
0x144: {  	v13 =	vadd.f32 v13, v13;
	_ =	sdelay $0x1  }
0x145: {  	v13 =	vsub.f32 v11, v13;
	_ =	sdelay $0x1  }
0x146: {  	v13 =	vadd.f32 v13, v14;
	s6 =	spop @p0 (v2sf)  }
0x147: {  	s31 =	smov.u32 @p0 s6  }
0x148: {  	vm6 =	vlt.f32 v13, s31  }
0x149: {  	v14 =	vsel vm6, $0x3F800000, v1  }
0x14a: {  	(xrf0) =	vmax.scan.msk.f32 $0xffff, v14;
	_ =	sdelay $0x5  }
0x14b: {  	v14, _, _ =	vpop (xrf0)  }
0x14c: {  	(v2sf) =	vpush v14, $0xF;
	_ =	sdelay $0xe  }
0x14d: {  	s6 =	spop (v2sf)  }
0x14e: {  	p0 =	sgt.f32 s6, $0.0e+00;
	_ =	sdelay $0x1  }
0x14f: {  	(xrf1) =	vsort.ascd.msk.f32 @p0 $0xffff, v13, v13;
	_ =	sdelay $0xa  }
0x150: {  	v13 =	vlaneseq.u32 @p0  }
0x151: {  	v13 =	vmul.u32 @p0 $0xFFFFFFFF, v13;
	_ =	sdelay $0x1  }
0x152: {  	v13 =	vadd.s32 @p0 $0xF, v13;
	v14, _, _ =	vpop @p0 (xrf1)  }
0x153: {  	v13 =	vperm.xlane @p0 v14, v13;
	_ =	sdelay $0x1  }
0x154: {  	v13 =	vmin.f32 @p0 v12, v13  }
0x155: {  	(xrf1) =	vsort.ascd.msk.f32 @p0 $0xffff, v13, v13;
	_ =	sdelay $0xa  }
.Ltmp6:
0x156: {  	(pc) =	sbr.rel @p1 .LBB2_16-.Ltmp6, $3  }
0x157: {  	_ =	sdelay $0x1  }
0x158: {  	v13, _, _ =	vpop @p0 (xrf1)  }
0x159: {  	v12 =	vpsel p0, v13, v12;
	(xrf0) =	vmax.scan.msk.f32 @p0 $0xffff, v13  }
0x15a: {  	v8 =	vsel vm3, $0x7F800000, v12  }
0x15b: {  	(xrf0) =	vmin.scan.msk.f32 $0xffff, v8;
	v8 =	vsel vm4, $0x7F800000, v12  }
0x15c: {  	(xrf0) =	vmin.scan.msk.f32 $0xffff, v8;
	_ =	sdelay $0x3  }
0x15d: {  	v8, _, _ =	vpop @p0 (xrf0)  }
0x15e: {  	(v2sf) =	vpush @p0 v8, $0xF;
	v9, _, _ =	vpop (xrf0)  }
0x15f: {  	(v2sf) =	vpush v9, $0xF;
	v8, _, _ =	vpop (xrf0)  }
0x160: {  	(v2sf) =	vpush v8, $0xF;
	_ =	sdelay $0xc  }
0x161: {  	s0 =	spop @p0 (v2sf)  }
0x162: {  	s30 =	sadd.s32 $0x1, s30;
	s0 =	spop (v2sf)  }
0x163: {  	p0 =	sne.s32 s30, $0x10;
	s6 =	spop (v2sf)  }
.Ltmp7:
0x164: {  	s0 =	sadd.f32 s6, s0;
	(pc) =	sbr.rel @p0 .LBB2_15-.Ltmp7, $3  }
0x165: {  	_ = 	snop  }
0x166: {  	s0 =	smul.f32 $5.000000000e-01, s0;
	_ =	sdelay $0x1  }
0x167: {  	v4 =	vsel vm5, s0, v4  }
0x168: {  	s28 =	sadd.s32 $0x1, s28  }
0x169: {  	p0 =	sne.s32 s28, $0x8  }
.Ltmp8:
0x16a: {  	_ = 	snop;
	(pc) =	sbr.rel @p0 .LBB2_14-.Ltmp8, $2  }
0x16b: {  	_ =	sdelay $0x2  }
0x16c: {  	[tilespmem:s29+$0xC180] =	vst v4  }
0x16d: {  	s26 =	sadd.s32 $0x1, s26  }
0x16e: {  	p0 =	sne.s32 s26, s20  }
.Ltmp9:
0x16f: {  	_ = 	snop;
	(pc) =	sbr.rel @p0 .LBB2_1-.Ltmp9, $4  }
0x170: {  	[hbm4b:s19+s1] =	stream.linear.scatter [tilespmem:s25], [sflag:$0x1], $0x80, $0x38;
	[tilespmem:$0xC200] =	vst v63  }
0x171: {  	_ =	swait.ge [sflag:s21], $0x80  }
0x172: {  	[sflag:s21] =	ssyncset.done $0x0  }
0x173: {  	[sflag:s21] =	ssyncadd.s32 $0xFFFFFF80  }
0x174: {  	_ =	sfence.sel $0x180000  }
0x175: {  	[bflag:$0x0] =	sbarrier.arrive $0xFFFF  }
0x176: {  	_ =	strace $0x90000047  }
0x177: {  	s0 =	stileid.u32;
	[bflag:$0x2] =	sbarrier.arrive $0xFFFF  }
0x178: {  	p0 =	sne.s32 s0, $0x0;
	s0 =	rddreg [dreg:$0x1]  }
0x179: {  	s0 =	sadd.s32 @!p0 $0x100000, s0  }
0x17a: {  	[sflag:s0] =	ssyncadd.tile.s32 @!p0 $0x1;
	_ =	shalt  }
.Lfunc_end2:
_tile_overlayer_lowered:
.L_overlay_start_2:
0x17b: {  	(tag) =	ssettag $0x2  }
0x17c: {  	s0 =	rddreg [dreg:$0x0];
	s2 =	stileid.u32  }
0x17d: {  	s1 =	rddreg [dreg:$0x1];
	p0 =	sne.s32 s2, $0x0  }
0x17e: {  	s3 =	rddreg [dreg:$0x2];
	[bflag:$0x3] =	sbarrier.arrive $0xFFFF;
	s2 =	simm.s32 @!p0 $0x1C01  }
0x17f: {  	[timem:s3], [sflag:s2] =	dma.local @!p0 [hbm:s0], s1  }
0x180: {  	s0 =	simm.s32 @!p0 $0x1  }
0x181: {  	_ =	swait.ge @!p0 [sflag:s0], s1  }
0x182: {  	s1 =	ssub.s32 @!p0 $0x0, s1;
	[sflag:s0] =	ssyncset.done @!p0 $0x0  }
0x183: {  	[sflag:s0] =	ssyncadd.s32 @!p0 s1  }
0x184: {  	[bflag:$0x3] =	sbarrier.arrive $0xFFFF  }
0x185: {  	_ =	shalt  }

</sc_bundles>
